<compile_context>
chip_gen: v7x
topology: tpu7x:2x2x1
jax: 0.10.2.dev20260603
libtpu: 0.0.44.dev20260713+nightly
codegen_flags: <defaults>
</compile_context>

<pallas_src>
import functools

import jax
import jax.numpy as jnp
from jax import lax
from jax.experimental import pallas as pl
from jax.experimental.pallas import tpu as pltpu
from jax.experimental.pallas import tpu_sc as plsc


def _dist_argmin_kernel(x2_ref, e2_ref, x_ref, emb_ref, ind_ref, *, kc):
    nt, d = x_ref.shape
    k = emb_ref.shape[1]
    xb = (x_ref[...] * -2.0).astype(jnp.bfloat16)
    x2col = x2_ref[0, 0][:, None]

    big = jnp.float32(jnp.inf)
    lane_f = lax.broadcasted_iota(jnp.int32, (nt, kc), 1).astype(jnp.float32)
    mrow = jnp.full((nt, 1), big, dtype=jnp.float32)
    lrow = jnp.zeros((nt, 1), dtype=jnp.float32)
    crow = jnp.zeros((nt, 1), dtype=jnp.float32)
    for kt in range(k // kc):
        eb = emb_ref[0, pl.ds(kt * kc, kc), :]
        cr = lax.dot_general(xb, eb, (((1,), (1,)), ((), ())),
                             preferred_element_type=jnp.float32)
        t1 = x2col + e2_ref[0, 0, pl.ds(kt * kc, kc)][None, :]
        c = jnp.maximum(t1 + cr, 0.0)
        s = jnp.where(c == 0.0, 0.0, c * lax.rsqrt(c))
        cmin = jnp.min(s, axis=1, keepdims=True)
        lmin = jnp.min(jnp.where(s == cmin, lane_f, big), axis=1, keepdims=True)
        upd = cmin < mrow
        mrow = jnp.where(upd, cmin, mrow)
        lrow = jnp.where(upd, lmin, lrow)
        crow = jnp.where(upd, jnp.float32(kt), crow)
    ind = crow * jnp.float32(kc) + lrow
    ind_ref[0, 0] = ind[:, 0].astype(jnp.int32)


def _dist_argmin(x2, e2, x2d, key_embed_bf16, nt, kc):
    n, hd = x2d.shape
    h, k, d = key_embed_bf16.shape
    nb = n // nt
    x2r = x2.reshape(h * nb, 1, nt)
    e2r = e2.reshape(h, 1, k)
    out = pl.pallas_call(
        functools.partial(_dist_argmin_kernel, kc=kc),
        grid=(h, nb),
        in_specs=[
            pl.BlockSpec((1, 1, nt), lambda hh, i: (hh * nb + i, 0, 0)),
            pl.BlockSpec((1, 1, k), lambda hh, i: (hh, 0, 0)),
            pl.BlockSpec((nt, d), lambda hh, i: (i, hh)),
            pl.BlockSpec((1, k, d), lambda hh, i: (hh, 0, 0)),
        ],
        out_specs=pl.BlockSpec((1, 1, nt), lambda hh, i: (hh * nb + i, 0, 0)),
        out_shape=jax.ShapeDtypeStruct((h * nb, 1, nt), jnp.int32),
        compiler_params=pltpu.CompilerParams(
            dimension_semantics=("arbitrary", "arbitrary"),
        ),
    )(x2r, e2r, x2d, key_embed_bf16)
    return out.reshape(h, n)


def _gather_body(table_hbm, idx_hbm, out_hbm, idx_v, rows_v, sem):
    nc = 2
    wid = lax.axis_index("s") * nc + lax.axis_index("c")
    bpw = idx_v.shape[0]
    ch = rows_v.shape[0]
    base = wid * bpw
    pltpu.sync_copy(idx_hbm.at[pl.ds(base, bpw)], idx_v)
    for ci in range(bpw // ch):
        pltpu.async_copy(
            table_hbm.at[idx_v.at[pl.ds(ci * ch, ch)]], rows_v, sem).wait()
        pltpu.sync_copy(rows_v, out_hbm.at[pl.ds(base + ci * ch, ch)])


def _gather_rows(table, gidx, bpw, ch):
    rows, d = table.shape
    nidx = gidx.shape[0]
    kfn = pl.kernel(
        _gather_body,
        out_type=jax.ShapeDtypeStruct((nidx, d), jnp.float32),
        mesh=plsc.VectorSubcoreMesh(core_axis_name="c", subcore_axis_name="s"),
        scratch_types=[
            pltpu.VMEM((bpw,), jnp.int32),
            pltpu.VMEM((ch, d), jnp.float32),
            pltpu.SemaphoreType.DMA,
        ],
    )
    return kfn(table, gidx)


def kernel(x, key_embed, key_optim):
    x = x.astype(jnp.float32)
    b, t, _ = x.shape
    h, k, d = key_embed.shape
    n = b * t
    x2 = jnp.sum(x.reshape(b, t, h, d) ** 2, -1).transpose(2, 0, 1).reshape(h, n)
    e2 = jnp.sum(key_embed * key_embed, axis=-1)
    x2d = x.reshape(n, h * d)

    inds2 = _dist_argmin(x2, e2, x2d, key_embed.astype(jnp.bfloat16),
                         nt=1536, kc=512)

    offs = (jnp.arange(h, dtype=jnp.int32) * k)[:, None]
    gidx = (inds2 + offs).T.reshape(-1)
    table = key_embed.reshape(h * k, d)
    nw = 32
    rows = _gather_rows(table, gidx, bpw=(n * h) // nw, ch=288)
    quantized = rows.reshape(b, t, h * d)
    inds = inds2.T.reshape(b, t, h)
    return (quantized, inds)

# --- scband reference (transcript-rebuilt; emitter-appended) ---
"""Pipeline reference for scband-vector-quantize-22153441313349 (READ-ONLY COPY).

The authoritative reference and input builder live on the scoring server;
editing this copy changes nothing except your own understanding.
"""

import jax, jax.numpy as jnp
import numpy as np

N_HEADS = 4
CODEBOOK_SIZE = 8192
HEADS_DIM = 256


def setup_inputs(seed: int = 0) -> dict:
    key = jax.random.key(seed)
    k1, k2 = jax.random.split(key)
    x = jax.random.normal(k1, (16, 576, 1024), dtype=jnp.float32)
    # kaiming_uniform_ on (h, K, d): fan_in = K * d, gain = sqrt(2) (a=0)
    fan_in = CODEBOOK_SIZE * HEADS_DIM
    bound = float(np.sqrt(2.0) * np.sqrt(3.0 / fan_in))
    key_embed = jax.random.uniform(k2, (N_HEADS, CODEBOOK_SIZE, HEADS_DIM), dtype=jnp.float32, minval=-bound, maxval=bound)
    return {"x": x, "key_embed": key_embed, "key_optim": 0}


def reference(x, key_embed, key_optim):
    x = x.astype(jnp.float32)
    b, t, _ = x.shape
    h, K, d = key_embed.shape
    # rearrange 'b t (h d) -> h b t d'
    xh = x.reshape(b, t, h, d).transpose(2, 0, 1, 3)
    flatten = xh.reshape(h, b * t, d)
    # dist = -torch.cdist(flatten, emb, p=2)
    x2 = jnp.sum(flatten * flatten, axis=-1, keepdims=True)          # h n 1
    e2 = jnp.sum(key_embed * key_embed, axis=-1)[:, None, :]         # h 1 K
    cross = jnp.einsum('hnd,hkd->hnk', flatten, key_embed)           # h n K
    dist = -jnp.sqrt(jnp.clip(x2 + e2 - 2.0 * cross, 0.0, None))
    emb_ind_flat = jnp.argmax(dist, axis=-1)                         # h n
    emb_ind = emb_ind_flat.reshape(h, b, t)
    # collect_embeddings: gather codebook rows per head
    quantized = key_embed[jnp.arange(h)[:, None, None], emb_ind]     # h b t d
    # key_optim is False (0): no EMA codebook update; update would not affect outputs anyway
    quantized = quantized.transpose(1, 2, 0, 3).reshape(b, t, h * d)  # b t (h d)
    inds = emb_ind.transpose(1, 2, 0)                                 # b t h
    return (quantized, inds)

if __name__ == "__main__":
    import jax
    _d = setup_inputs()
    print(jax.jit(kernel)(*tuple(_d.values())))

</pallas_src>

<mosaic_0001>
#map = affine_map<(d0, d1) -> (0, 0)>
#map1 = affine_map<(d0, d1) -> (0)>
module attributes {stable_mosaic.version = 14 : i64} {
  func.func @_gather_body(%arg0: i32, %arg1: i32, %arg2: memref<32768x256xf32, #tpu.memory_space<hbm>>, %arg3: memref<36864xi32, #tpu.memory_space<hbm>>, %arg4: memref<36864x256xf32, #tpu.memory_space<hbm>>, %arg5: memref<1152xi32, #tpu.memory_space<vmem>>, %arg6: memref<288x256xf32, #tpu.memory_space<vmem>>, %arg7: memref<!tpu.dma_semaphore, #tpu.memory_space<semaphore_mem>>) attributes {dimension_semantics = [#tpu.dimension_semantics<core_parallel>, #tpu.dimension_semantics<subcore_parallel>], iteration_bounds = array<i64: 2, 16>, scalar_prefetch = 0 : i64, scratch_operands = 3 : i64, tpu.core_type = #tpu.core_type<sc_vector_subcore>, window_params = [{transform_indices = #map}, {transform_indices = #map1}, {transform_indices = #map}]} {
    %mul3A = arith.constant 2 : i32
    %mul3A_0 = arith.muli %arg1, %mul3A : i32
    %add3A = arith.addi %mul3A_0, %arg0 : i32
    %mul3A_1 = arith.constant 1152 : i32
    %mul3A_2 = arith.muli %add3A, %mul3A_1 : i32
    "tpu.region"() ({
      %run_scoped3A = tpu.sem_alloc : memref<!tpu.dma_semaphore, #tpu.memory_space<semaphore_mem>>
      %dma_start3A_49 = tpu.memref_slice %arg3[%mul3A_2] : memref<36864xi32, #tpu.memory_space<hbm>> -> memref<1152xi32, #tpu.memory_space<hbm>>
      %dma_start3A_50 = tpu.memref_slice %arg3[%mul3A_2] : memref<36864xi32, #tpu.memory_space<hbm>> -> memref<1152xi32, #tpu.memory_space<hbm>>
      tpu.enqueue_dma source(%dma_start3A_50 : memref<1152xi32, #tpu.memory_space<hbm>>) target(%arg5 : memref<1152xi32, #tpu.memory_space<vmem>>) target_semaphore(%run_scoped3A : memref<!tpu.dma_semaphore, #tpu.memory_space<semaphore_mem>>)
      %dma_wait3A_51 = tpu.memref_slice %arg3[%mul3A_2] : memref<36864xi32, #tpu.memory_space<hbm>> -> memref<1152xi32, #tpu.memory_space<hbm>>
      %dma_wait3A_52 = tpu.memref_slice %arg3[%mul3A_2] : memref<36864xi32, #tpu.memory_space<hbm>> -> memref<1152xi32, #tpu.memory_space<hbm>>
      tpu.wait_dma2 semaphore(%run_scoped3A : memref<!tpu.dma_semaphore, #tpu.memory_space<semaphore_mem>>) src(%dma_wait3A_52 : memref<1152xi32, #tpu.memory_space<hbm>>) dst(%arg5 : memref<1152xi32, #tpu.memory_space<vmem>>)
      tpu.yield
    }) : () -> ()
    %dma_start3A = arith.constant 0 : i32
    %dma_start3A_3 = tpu.memref_slice %arg5[%dma_start3A] : memref<1152xi32, #tpu.memory_space<vmem>> -> memref<288xi32, #tpu.memory_space<vmem>>
    %dma_start3A_4 = arith.constant 0 : i32
    %dma_start3A_5 = arith.constant 0 : i32
    %dma_start3A_6 = tpu.memref_slice %arg2[%dma_start3A_4, %dma_start3A_5] : memref<32768x256xf32, #tpu.memory_space<hbm>> -> memref<32768x256xf32, #tpu.memory_space<hbm>>
    tpu.enqueue_indirect_dma source(%dma_start3A_6 : memref<32768x256xf32, #tpu.memory_space<hbm>>) target(%arg6 : memref<288x256xf32, #tpu.memory_space<vmem>>) offsets(%dma_start3A_3 : memref<288xi32, #tpu.memory_space<vmem>>) semaphore(%arg7 : memref<!tpu.dma_semaphore, #tpu.memory_space<semaphore_mem>>)
    %dma_wait3A = arith.constant 0 : i32
    %dma_wait3A_7 = tpu.memref_slice %arg5[%dma_wait3A] : memref<1152xi32, #tpu.memory_space<vmem>> -> memref<288xi32, #tpu.memory_space<vmem>>
    %dma_wait3A_8 = arith.constant 0 : i32
    %dma_wait3A_9 = arith.constant 0 : i32
    %dma_wait3A_10 = tpu.memref_slice %arg2[%dma_wait3A_8, %dma_wait3A_9] : memref<32768x256xf32, #tpu.memory_space<hbm>> -> memref<32768x256xf32, #tpu.memory_space<hbm>>
    tpu.wait_indirect_dma semaphore(%arg7 : memref<!tpu.dma_semaphore, #tpu.memory_space<semaphore_mem>>) src(%dma_wait3A_10 : memref<32768x256xf32, #tpu.memory_space<hbm>>) dst(%arg6 : memref<288x256xf32, #tpu.memory_space<vmem>>)
    %add3A_11 = arith.constant 0 : i32
    %add3A_12 = arith.addi %mul3A_2, %add3A_11 : i32
    "tpu.region"() ({
      %run_scoped3A = tpu.sem_alloc : memref<!tpu.dma_semaphore, #tpu.memory_space<semaphore_mem>>
      %dma_start3A_49 = arith.constant 0 : i32
      %dma_start3A_50 = tpu.memref_slice %arg4[%add3A_12, %dma_start3A_49] : memref<36864x256xf32, #tpu.memory_space<hbm>> -> memref<288x256xf32, #tpu.memory_space<hbm>>
      %dma_start3A_51 = arith.constant 0 : i32
      %dma_start3A_52 = tpu.memref_slice %arg4[%add3A_12, %dma_start3A_51] : memref<36864x256xf32, #tpu.memory_space<hbm>> -> memref<288x256xf32, #tpu.memory_space<hbm>>
      tpu.enqueue_dma source(%arg6 : memref<288x256xf32, #tpu.memory_space<vmem>>) target(%dma_start3A_52 : memref<288x256xf32, #tpu.memory_space<hbm>>) target_semaphore(%run_scoped3A : memref<!tpu.dma_semaphore, #tpu.memory_space<semaphore_mem>>)
      %dma_wait3A_53 = arith.constant 0 : i32
      %dma_wait3A_54 = tpu.memref_slice %arg4[%add3A_12, %dma_wait3A_53] : memref<36864x256xf32, #tpu.memory_space<hbm>> -> memref<288x256xf32, #tpu.memory_space<hbm>>
      %dma_wait3A_55 = arith.constant 0 : i32
      %dma_wait3A_56 = tpu.memref_slice %arg4[%add3A_12, %dma_wait3A_55] : memref<36864x256xf32, #tpu.memory_space<hbm>> -> memref<288x256xf32, #tpu.memory_space<hbm>>
      tpu.wait_dma2 semaphore(%run_scoped3A : memref<!tpu.dma_semaphore, #tpu.memory_space<semaphore_mem>>) src(%arg6 : memref<288x256xf32, #tpu.memory_space<vmem>>) dst(%dma_wait3A_56 : memref<288x256xf32, #tpu.memory_space<hbm>>)
      tpu.yield
    }) : () -> ()
    %dma_start3A_13 = arith.constant 288 : i32
    %dma_start3A_14 = tpu.memref_slice %arg5[%dma_start3A_13] : memref<1152xi32, #tpu.memory_space<vmem>> -> memref<288xi32, #tpu.memory_space<vmem>>
    %dma_start3A_15 = arith.constant 0 : i32
    %dma_start3A_16 = arith.constant 0 : i32
    %dma_start3A_17 = tpu.memref_slice %arg2[%dma_start3A_15, %dma_start3A_16] : memref<32768x256xf32, #tpu.memory_space<hbm>> -> memref<32768x256xf32, #tpu.memory_space<hbm>>
    tpu.enqueue_indirect_dma source(%dma_start3A_17 : memref<32768x256xf32, #tpu.memory_space<hbm>>) target(%arg6 : memref<288x256xf32, #tpu.memory_space<vmem>>) offsets(%dma_start3A_14 : memref<288xi32, #tpu.memory_space<vmem>>) semaphore(%arg7 : memref<!tpu.dma_semaphore, #tpu.memory_space<semaphore_mem>>)
    %dma_wait3A_18 = arith.constant 288 : i32
    %dma_wait3A_19 = tpu.memref_slice %arg5[%dma_wait3A_18] : memref<1152xi32, #tpu.memory_space<vmem>> -> memref<288xi32, #tpu.memory_space<vmem>>
    %dma_wait3A_20 = arith.constant 0 : i32
    %dma_wait3A_21 = arith.constant 0 : i32
    %dma_wait3A_22 = tpu.memref_slice %arg2[%dma_wait3A_20, %dma_wait3A_21] : memref<32768x256xf32, #tpu.memory_space<hbm>> -> memref<32768x256xf32, #tpu.memory_space<hbm>>
    tpu.wait_indirect_dma semaphore(%arg7 : memref<!tpu.dma_semaphore, #tpu.memory_space<semaphore_mem>>) src(%dma_wait3A_22 : memref<32768x256xf32, #tpu.memory_space<hbm>>) dst(%arg6 : memref<288x256xf32, #tpu.memory_space<vmem>>)
    %add3A_23 = arith.constant 288 : i32
    %add3A_24 = arith.addi %mul3A_2, %add3A_23 : i32
    "tpu.region"() ({
      %run_scoped3A = tpu.sem_alloc : memref<!tpu.dma_semaphore, #tpu.memory_space<semaphore_mem>>
      %dma_start3A_49 = arith.constant 0 : i32
      %dma_start3A_50 = tpu.memref_slice %arg4[%add3A_24, %dma_start3A_49] : memref<36864x256xf32, #tpu.memory_space<hbm>> -> memref<288x256xf32, #tpu.memory_space<hbm>>
      %dma_start3A_51 = arith.constant 0 : i32
      %dma_start3A_52 = tpu.memref_slice %arg4[%add3A_24, %dma_start3A_51] : memref<36864x256xf32, #tpu.memory_space<hbm>> -> memref<288x256xf32, #tpu.memory_space<hbm>>
      tpu.enqueue_dma source(%arg6 : memref<288x256xf32, #tpu.memory_space<vmem>>) target(%dma_start3A_52 : memref<288x256xf32, #tpu.memory_space<hbm>>) target_semaphore(%run_scoped3A : memref<!tpu.dma_semaphore, #tpu.memory_space<semaphore_mem>>)
      %dma_wait3A_53 = arith.constant 0 : i32
      %dma_wait3A_54 = tpu.memref_slice %arg4[%add3A_24, %dma_wait3A_53] : memref<36864x256xf32, #tpu.memory_space<hbm>> -> memref<288x256xf32, #tpu.memory_space<hbm>>
      %dma_wait3A_55 = arith.constant 0 : i32
      %dma_wait3A_56 = tpu.memref_slice %arg4[%add3A_24, %dma_wait3A_55] : memref<36864x256xf32, #tpu.memory_space<hbm>> -> memref<288x256xf32, #tpu.memory_space<hbm>>
      tpu.wait_dma2 semaphore(%run_scoped3A : memref<!tpu.dma_semaphore, #tpu.memory_space<semaphore_mem>>) src(%arg6 : memref<288x256xf32, #tpu.memory_space<vmem>>) dst(%dma_wait3A_56 : memref<288x256xf32, #tpu.memory_space<hbm>>)
      tpu.yield
    }) : () -> ()
    %dma_start3A_25 = arith.constant 576 : i32
    %dma_start3A_26 = tpu.memref_slice %arg5[%dma_start3A_25] : memref<1152xi32, #tpu.memory_space<vmem>> -> memref<288xi32, #tpu.memory_space<vmem>>
    %dma_start3A_27 = arith.constant 0 : i32
    %dma_start3A_28 = arith.constant 0 : i32
    %dma_start3A_29 = tpu.memref_slice %arg2[%dma_start3A_27, %dma_start3A_28] : memref<32768x256xf32, #tpu.memory_space<hbm>> -> memref<32768x256xf32, #tpu.memory_space<hbm>>
    tpu.enqueue_indirect_dma source(%dma_start3A_29 : memref<32768x256xf32, #tpu.memory_space<hbm>>) target(%arg6 : memref<288x256xf32, #tpu.memory_space<vmem>>) offsets(%dma_start3A_26 : memref<288xi32, #tpu.memory_space<vmem>>) semaphore(%arg7 : memref<!tpu.dma_semaphore, #tpu.memory_space<semaphore_mem>>)
    %dma_wait3A_30 = arith.constant 576 : i32
    %dma_wait3A_31 = tpu.memref_slice %arg5[%dma_wait3A_30] : memref<1152xi32, #tpu.memory_space<vmem>> -> memref<288xi32, #tpu.memory_space<vmem>>
    %dma_wait3A_32 = arith.constant 0 : i32
    %dma_wait3A_33 = arith.constant 0 : i32
    %dma_wait3A_34 = tpu.memref_slice %arg2[%dma_wait3A_32, %dma_wait3A_33] : memref<32768x256xf32, #tpu.memory_space<hbm>> -> memref<32768x256xf32, #tpu.memory_space<hbm>>
    tpu.wait_indirect_dma semaphore(%arg7 : memref<!tpu.dma_semaphore, #tpu.memory_space<semaphore_mem>>) src(%dma_wait3A_34 : memref<32768x256xf32, #tpu.memory_space<hbm>>) dst(%arg6 : memref<288x256xf32, #tpu.memory_space<vmem>>)
    %add3A_35 = arith.constant 576 : i32
    %add3A_36 = arith.addi %mul3A_2, %add3A_35 : i32
    "tpu.region"() ({
      %run_scoped3A = tpu.sem_alloc : memref<!tpu.dma_semaphore, #tpu.memory_space<semaphore_mem>>
      %dma_start3A_49 = arith.constant 0 : i32
      %dma_start3A_50 = tpu.memref_slice %arg4[%add3A_36, %dma_start3A_49] : memref<36864x256xf32, #tpu.memory_space<hbm>> -> memref<288x256xf32, #tpu.memory_space<hbm>>
      %dma_start3A_51 = arith.constant 0 : i32
      %dma_start3A_52 = tpu.memref_slice %arg4[%add3A_36, %dma_start3A_51] : memref<36864x256xf32, #tpu.memory_space<hbm>> -> memref<288x256xf32, #tpu.memory_space<hbm>>
      tpu.enqueue_dma source(%arg6 : memref<288x256xf32, #tpu.memory_space<vmem>>) target(%dma_start3A_52 : memref<288x256xf32, #tpu.memory_space<hbm>>) target_semaphore(%run_scoped3A : memref<!tpu.dma_semaphore, #tpu.memory_space<semaphore_mem>>)
      %dma_wait3A_53 = arith.constant 0 : i32
      %dma_wait3A_54 = tpu.memref_slice %arg4[%add3A_36, %dma_wait3A_53] : memref<36864x256xf32, #tpu.memory_space<hbm>> -> memref<288x256xf32, #tpu.memory_space<hbm>>
      %dma_wait3A_55 = arith.constant 0 : i32
      %dma_wait3A_56 = tpu.memref_slice %arg4[%add3A_36, %dma_wait3A_55] : memref<36864x256xf32, #tpu.memory_space<hbm>> -> memref<288x256xf32, #tpu.memory_space<hbm>>
      tpu.wait_dma2 semaphore(%run_scoped3A : memref<!tpu.dma_semaphore, #tpu.memory_space<semaphore_mem>>) src(%arg6 : memref<288x256xf32, #tpu.memory_space<vmem>>) dst(%dma_wait3A_56 : memref<288x256xf32, #tpu.memory_space<hbm>>)
      tpu.yield
    }) : () -> ()
    %dma_start3A_37 = arith.constant 864 : i32
    %dma_start3A_38 = tpu.memref_slice %arg5[%dma_start3A_37] : memref<1152xi32, #tpu.memory_space<vmem>> -> memref<288xi32, #tpu.memory_space<vmem>>
    %dma_start3A_39 = arith.constant 0 : i32
    %dma_start3A_40 = arith.constant 0 : i32
    %dma_start3A_41 = tpu.memref_slice %arg2[%dma_start3A_39, %dma_start3A_40] : memref<32768x256xf32, #tpu.memory_space<hbm>> -> memref<32768x256xf32, #tpu.memory_space<hbm>>
    tpu.enqueue_indirect_dma source(%dma_start3A_41 : memref<32768x256xf32, #tpu.memory_space<hbm>>) target(%arg6 : memref<288x256xf32, #tpu.memory_space<vmem>>) offsets(%dma_start3A_38 : memref<288xi32, #tpu.memory_space<vmem>>) semaphore(%arg7 : memref<!tpu.dma_semaphore, #tpu.memory_space<semaphore_mem>>)
    %dma_wait3A_42 = arith.constant 864 : i32
    %dma_wait3A_43 = tpu.memref_slice %arg5[%dma_wait3A_42] : memref<1152xi32, #tpu.memory_space<vmem>> -> memref<288xi32, #tpu.memory_space<vmem>>
    %dma_wait3A_44 = arith.constant 0 : i32
    %dma_wait3A_45 = arith.constant 0 : i32
    %dma_wait3A_46 = tpu.memref_slice %arg2[%dma_wait3A_44, %dma_wait3A_45] : memref<32768x256xf32, #tpu.memory_space<hbm>> -> memref<32768x256xf32, #tpu.memory_space<hbm>>
    tpu.wait_indirect_dma semaphore(%arg7 : memref<!tpu.dma_semaphore, #tpu.memory_space<semaphore_mem>>) src(%dma_wait3A_46 : memref<32768x256xf32, #tpu.memory_space<hbm>>) dst(%arg6 : memref<288x256xf32, #tpu.memory_space<vmem>>)
    %add3A_47 = arith.constant 864 : i32
    %add3A_48 = arith.addi %mul3A_2, %add3A_47 : i32
    "tpu.region"() ({
      %run_scoped3A = tpu.sem_alloc : memref<!tpu.dma_semaphore, #tpu.memory_space<semaphore_mem>>
      %dma_start3A_49 = arith.constant 0 : i32
      %dma_start3A_50 = tpu.memref_slice %arg4[%add3A_48, %dma_start3A_49] : memref<36864x256xf32, #tpu.memory_space<hbm>> -> memref<288x256xf32, #tpu.memory_space<hbm>>
      %dma_start3A_51 = arith.constant 0 : i32
      %dma_start3A_52 = tpu.memref_slice %arg4[%add3A_48, %dma_start3A_51] : memref<36864x256xf32, #tpu.memory_space<hbm>> -> memref<288x256xf32, #tpu.memory_space<hbm>>
      tpu.enqueue_dma source(%arg6 : memref<288x256xf32, #tpu.memory_space<vmem>>) target(%dma_start3A_52 : memref<288x256xf32, #tpu.memory_space<hbm>>) target_semaphore(%run_scoped3A : memref<!tpu.dma_semaphore, #tpu.memory_space<semaphore_mem>>)
      %dma_wait3A_53 = arith.constant 0 : i32
      %dma_wait3A_54 = tpu.memref_slice %arg4[%add3A_48, %dma_wait3A_53] : memref<36864x256xf32, #tpu.memory_space<hbm>> -> memref<288x256xf32, #tpu.memory_space<hbm>>
      %dma_wait3A_55 = arith.constant 0 : i32
      %dma_wait3A_56 = tpu.memref_slice %arg4[%add3A_48, %dma_wait3A_55] : memref<36864x256xf32, #tpu.memory_space<hbm>> -> memref<288x256xf32, #tpu.memory_space<hbm>>
      tpu.wait_dma2 semaphore(%run_scoped3A : memref<!tpu.dma_semaphore, #tpu.memory_space<semaphore_mem>>) src(%arg6 : memref<288x256xf32, #tpu.memory_space<vmem>>) dst(%dma_wait3A_56 : memref<288x256xf32, #tpu.memory_space<hbm>>)
      tpu.yield
    }) : () -> ()
    return
  }
}

module attributes {stable_mosaic.version = 14 : i64} {
  func.func @_dist_argmin_kernel(%arg0: i32, %arg1: i32, %arg2: memref<1x1x1536xf32, #tpu.memory_space<vmem>>, %arg3: memref<1x1x8192xf32, #tpu.memory_space<vmem>>, %arg4: memref<1536x256xf32, #tpu.memory_space<vmem>>, %arg5: memref<1x8192x256xbf16, #tpu.memory_space<vmem>>, %arg6: memref<1x1x1536xi32, #tpu.memory_space<vmem>>) attributes {dimension_semantics = [#tpu.dimension_semantics<arbitrary>, #tpu.dimension_semantics<arbitrary>], iteration_bounds = array<i64: 4, 6>, scalar_prefetch = 0 : i64, scratch_operands = 0 : i64, tpu.core_type = #tpu.core_type<tc>, window_params = [{transform_indices = @transform_0, window_bounds = array<i64: 1, 1, 1536>}, {transform_indices = @transform_1, window_bounds = array<i64: 1, 1, 8192>}, {transform_indices = @transform_2, window_bounds = array<i64: 1536, 256>}, {transform_indices = @transform_3, window_bounds = array<i64: 1, 8192, 256>}, {transform_indices = @transform_4, window_bounds = array<i64: 1, 1, 1536>}]} {
    %get3A = arith.constant 0 : index
    %get3A_0 = arith.constant 0 : index
    %get3A_1 = vector.load %arg4[%get3A, %get3A_0] : memref<1536x256xf32, #tpu.memory_space<vmem>>, vector<1536x256xf32>
    %mul3A = arith.constant -2.000000e+00 : f32
    %mul3A_2 = vector.broadcast %mul3A : f32 to vector<1536x256xf32>
    %mul3A_3 = arith.mulf %get3A_1, %mul3A_2 : vector<1536x256xf32>
    %convert_element_type3A = arith.truncf %mul3A_3 : vector<1536x256xf32> to vector<1536x256xbf16>
    %get3A_4 = arith.constant 0 : index
    %get3A_5 = arith.constant 0 : index
    %get3A_6 = arith.constant 0 : index
    %get3A_7 = vector.load %arg2[%get3A_4, %get3A_5, %get3A_6] : memref<1x1x1536xf32, #tpu.memory_space<vmem>>, vector<1x1x1536xf32>
    %get3A_8 = vector.shape_cast %get3A_7 : vector<1x1x1536xf32> to vector<1536xf32>
    %broadcast_in_dim3A = vector.shape_cast %get3A_8 : vector<1536xf32> to vector<1536x1xf32>
    %iota3A = tpu.iota {dimensions = array<i32: 1>} : vector<1536x512xi32>
    %convert_element_type3A_9 = arith.sitofp %iota3A : vector<1536x512xi32> to vector<1536x512xf32>
    %broadcast_in_dim3A_10 = arith.constant 0x7F800000 : f32
    %broadcast_in_dim3A_11 = vector.broadcast %broadcast_in_dim3A_10 : f32 to vector<1536x1xf32>
    %broadcast_in_dim3A_12 = arith.constant 0.000000e+00 : f32
    %broadcast_in_dim3A_13 = vector.broadcast %broadcast_in_dim3A_12 : f32 to vector<1536x1xf32>
    %broadcast_in_dim3A_14 = arith.constant 0.000000e+00 : f32
    %broadcast_in_dim3A_15 = vector.broadcast %broadcast_in_dim3A_14 : f32 to vector<1536x1xf32>
    %get3A_16 = arith.constant 0 : index
    %get3A_17 = arith.constant 0 : index
    %get3A_18 = arith.constant 0 : index
    %get3A_19 = vector.load %arg5[%get3A_16, %get3A_17, %get3A_18] : memref<1x8192x256xbf16, #tpu.memory_space<vmem>>, vector<1x512x256xbf16>
    %get3A_20 = vector.shape_cast %get3A_19 : vector<1x512x256xbf16> to vector<512x256xbf16>
    %dot_general3A = arith.constant dense<0.000000e+00> : vector<1536x512xf32>
    %dot_general3A_21 = tpu.matmul %convert_element_type3A, %get3A_20, %dot_general3A {dimension_numbers = #tpu.dot_dimension_numbers<[1], [1], [0], [0], [0, 0, 1, 0], [], []>, transpose_lhs_hint = false} : vector<1536x256xbf16>, vector<512x256xbf16>, vector<1536x512xf32> -> vector<1536x512xf32>
    %get3A_22 = arith.constant 0 : index
    %get3A_23 = arith.constant 0 : index
    %get3A_24 = arith.constant 0 : index
    %get3A_25 = vector.load %arg3[%get3A_22, %get3A_23, %get3A_24] : memref<1x1x8192xf32, #tpu.memory_space<vmem>>, vector<1x1x512xf32>
    %get3A_26 = vector.shape_cast %get3A_25 : vector<1x1x512xf32> to vector<512xf32>
    %broadcast_in_dim3A_27 = vector.shape_cast %get3A_26 : vector<512xf32> to vector<1x512xf32>
    %add3A = vector.broadcast %broadcast_in_dim3A : vector<1536x1xf32> to vector<1536x512xf32>
    %add3A_28 = vector.broadcast %broadcast_in_dim3A_27 : vector<1x512xf32> to vector<1536x512xf32>
    %add3A_29 = arith.addf %add3A, %add3A_28 : vector<1536x512xf32>
    %add3A_30 = arith.addf %add3A_29, %dot_general3A_21 : vector<1536x512xf32>
    %max3A = arith.constant 0.000000e+00 : f32
    %max3A_31 = vector.broadcast %max3A : f32 to vector<1536x512xf32>
    %max3A_32 = arith.maximumf %add3A_30, %max3A_31 : vector<1536x512xf32>
    %eq3A = arith.constant 0.000000e+00 : f32
    %eq3A_33 = vector.broadcast %eq3A : f32 to vector<1536x512xf32>
    %eq3A_34 = arith.cmpf oeq, %max3A_32, %eq3A_33 : vector<1536x512xf32>
    %rsqrt3A = math.rsqrt %max3A_32 : vector<1536x512xf32>
    %mul3A_35 = arith.mulf %max3A_32, %rsqrt3A : vector<1536x512xf32>
    %jit3A = arith.constant 0.000000e+00 : f32
    %broadcast_in_dim3A_36 = vector.broadcast %jit3A : f32 to vector<1536x512xf32>
    %select_n3A = arith.select %eq3A_34, %broadcast_in_dim3A_36, %mul3A_35 : vector<1536x512xi1>, vector<1536x512xf32>
    %reduce_min3A = arith.constant dense<0x7F800000> : vector<1536xf32>
    %reduce_min3A_37 = vector.multi_reduction <minimumf>, %select_n3A, %reduce_min3A [1] : vector<1536x512xf32> to vector<1536xf32>
    %broadcast_in_dim3A_38 = vector.shape_cast %reduce_min3A_37 : vector<1536xf32> to vector<1536x1xf32>
    %eq3A_39 = vector.broadcast %broadcast_in_dim3A_38 : vector<1536x1xf32> to vector<1536x512xf32>
    %eq3A_40 = arith.cmpf oeq, %select_n3A, %eq3A_39 : vector<1536x512xf32>
    %jit3A_41 = arith.constant 0x7F800000 : f32
    %broadcast_in_dim3A_42 = vector.broadcast %jit3A_41 : f32 to vector<1536x512xf32>
    %select_n3A_43 = arith.select %eq3A_40, %convert_element_type3A_9, %broadcast_in_dim3A_42 : vector<1536x512xi1>, vector<1536x512xf32>
    %reduce_min3A_44 = arith.constant dense<0x7F800000> : vector<1536xf32>
    %reduce_min3A_45 = vector.multi_reduction <minimumf>, %select_n3A_43, %reduce_min3A_44 [1] : vector<1536x512xf32> to vector<1536xf32>
    %broadcast_in_dim3A_46 = vector.shape_cast %reduce_min3A_45 : vector<1536xf32> to vector<1536x1xf32>
    %lt3A = arith.cmpf olt, %broadcast_in_dim3A_38, %broadcast_in_dim3A_11 : vector<1536x1xf32>
    %select_n3A_47 = arith.select %lt3A, %broadcast_in_dim3A_38, %broadcast_in_dim3A_11 : vector<1536x1xi1>, vector<1536x1xf32>
    %select_n3A_48 = arith.select %lt3A, %broadcast_in_dim3A_46, %broadcast_in_dim3A_13 : vector<1536x1xi1>, vector<1536x1xf32>
    %jit3A_49 = arith.constant 0.000000e+00 : f32
    %broadcast_in_dim3A_50 = vector.broadcast %jit3A_49 : f32 to vector<1536x1xf32>
    %select_n3A_51 = arith.select %lt3A, %broadcast_in_dim3A_50, %broadcast_in_dim3A_15 : vector<1536x1xi1>, vector<1536x1xf32>
    %get3A_52 = arith.constant 0 : index
    %get3A_53 = arith.constant 512 : index
    %get3A_54 = arith.constant 0 : index
    %get3A_55 = vector.load %arg5[%get3A_52, %get3A_53, %get3A_54] : memref<1x8192x256xbf16, #tpu.memory_space<vmem>>, vector<1x512x256xbf16>
    %get3A_56 = vector.shape_cast %get3A_55 : vector<1x512x256xbf16> to vector<512x256xbf16>
    %dot_general3A_57 = arith.constant dense<0.000000e+00> : vector<1536x512xf32>
    %dot_general3A_58 = tpu.matmul %convert_element_type3A, %get3A_56, %dot_general3A_57 {dimension_numbers = #tpu.dot_dimension_numbers<[1], [1], [0], [0], [0, 0, 1, 0], [], []>, transpose_lhs_hint = false} : vector<1536x256xbf16>, vector<512x256xbf16>, vector<1536x512xf32> -> vector<1536x512xf32>
    %get3A_59 = arith.constant 0 : index
    %get3A_60 = arith.constant 0 : index
    %get3A_61 = arith.constant 512 : index
    %get3A_62 = vector.load %arg3[%get3A_59, %get3A_60, %get3A_61] : memref<1x1x8192xf32, #tpu.memory_space<vmem>>, vector<1x1x512xf32>
    %get3A_63 = vector.shape_cast %get3A_62 : vector<1x1x512xf32> to vector<512xf32>
    %broadcast_in_dim3A_64 = vector.shape_cast %get3A_63 : vector<512xf32> to vector<1x512xf32>
    %add3A_65 = vector.broadcast %broadcast_in_dim3A : vector<1536x1xf32> to vector<1536x512xf32>
    %add3A_66 = vector.broadcast %broadcast_in_dim3A_64 : vector<1x512xf32> to vector<1536x512xf32>
    %add3A_67 = arith.addf %add3A_65, %add3A_66 : vector<1536x512xf32>
    %add3A_68 = arith.addf %add3A_67, %dot_general3A_58 : vector<1536x512xf32>
    %max3A_69 = arith.constant 0.000000e+00 : f32
    %max3A_70 = vector.broadcast %max3A_69 : f32 to vector<1536x512xf32>
    %max3A_71 = arith.maximumf %add3A_68, %max3A_70 : vector<1536x512xf32>
    %eq3A_72 = arith.constant 0.000000e+00 : f32
    %eq3A_73 = vector.broadcast %eq3A_72 : f32 to vector<1536x512xf32>
    %eq3A_74 = arith.cmpf oeq, %max3A_71, %eq3A_73 : vector<1536x512xf32>
    %rsqrt3A_75 = math.rsqrt %max3A_71 : vector<1536x512xf32>
    %mul3A_76 = arith.mulf %max3A_71, %rsqrt3A_75 : vector<1536x512xf32>
    %jit3A_77 = arith.constant 0.000000e+00 : f32
    %broadcast_in_dim3A_78 = vector.broadcast %jit3A_77 : f32 to vector<1536x512xf32>
    %select_n3A_79 = arith.select %eq3A_74, %broadcast_in_dim3A_78, %mul3A_76 : vector<1536x512xi1>, vector<1536x512xf32>
    %reduce_min3A_80 = arith.constant dense<0x7F800000> : vector<1536xf32>
    %reduce_min3A_81 = vector.multi_reduction <minimumf>, %select_n3A_79, %reduce_min3A_80 [1] : vector<1536x512xf32> to vector<1536xf32>
    %broadcast_in_dim3A_82 = vector.shape_cast %reduce_min3A_81 : vector<1536xf32> to vector<1536x1xf32>
    %eq3A_83 = vector.broadcast %broadcast_in_dim3A_82 : vector<1536x1xf32> to vector<1536x512xf32>
    %eq3A_84 = arith.cmpf oeq, %select_n3A_79, %eq3A_83 : vector<1536x512xf32>
    %jit3A_85 = arith.constant 0x7F800000 : f32
    %broadcast_in_dim3A_86 = vector.broadcast %jit3A_85 : f32 to vector<1536x512xf32>
    %select_n3A_87 = arith.select %eq3A_84, %convert_element_type3A_9, %broadcast_in_dim3A_86 : vector<1536x512xi1>, vector<1536x512xf32>
    %reduce_min3A_88 = arith.constant dense<0x7F800000> : vector<1536xf32>
    %reduce_min3A_89 = vector.multi_reduction <minimumf>, %select_n3A_87, %reduce_min3A_88 [1] : vector<1536x512xf32> to vector<1536xf32>
    %broadcast_in_dim3A_90 = vector.shape_cast %reduce_min3A_89 : vector<1536xf32> to vector<1536x1xf32>
    %lt3A_91 = arith.cmpf olt, %broadcast_in_dim3A_82, %select_n3A_47 : vector<1536x1xf32>
    %select_n3A_92 = arith.select %lt3A_91, %broadcast_in_dim3A_82, %select_n3A_47 : vector<1536x1xi1>, vector<1536x1xf32>
    %select_n3A_93 = arith.select %lt3A_91, %broadcast_in_dim3A_90, %select_n3A_48 : vector<1536x1xi1>, vector<1536x1xf32>
    %jit3A_94 = arith.constant 1.000000e+00 : f32
    %broadcast_in_dim3A_95 = vector.broadcast %jit3A_94 : f32 to vector<1536x1xf32>
    %select_n3A_96 = arith.select %lt3A_91, %broadcast_in_dim3A_95, %select_n3A_51 : vector<1536x1xi1>, vector<1536x1xf32>
    %get3A_97 = arith.constant 0 : index
    %get3A_98 = arith.constant 1024 : index
    %get3A_99 = arith.constant 0 : index
    %get3A_100 = vector.load %arg5[%get3A_97, %get3A_98, %get3A_99] : memref<1x8192x256xbf16, #tpu.memory_space<vmem>>, vector<1x512x256xbf16>
    %get3A_101 = vector.shape_cast %get3A_100 : vector<1x512x256xbf16> to vector<512x256xbf16>
    %dot_general3A_102 = arith.constant dense<0.000000e+00> : vector<1536x512xf32>
    %dot_general3A_103 = tpu.matmul %convert_element_type3A, %get3A_101, %dot_general3A_102 {dimension_numbers = #tpu.dot_dimension_numbers<[1], [1], [0], [0], [0, 0, 1, 0], [], []>, transpose_lhs_hint = false} : vector<1536x256xbf16>, vector<512x256xbf16>, vector<1536x512xf32> -> vector<1536x512xf32>
    %get3A_104 = arith.constant 0 : index
    %get3A_105 = arith.constant 0 : index
    %get3A_106 = arith.constant 1024 : index
    %get3A_107 = vector.load %arg3[%get3A_104, %get3A_105, %get3A_106] : memref<1x1x8192xf32, #tpu.memory_space<vmem>>, vector<1x1x512xf32>
    %get3A_108 = vector.shape_cast %get3A_107 : vector<1x1x512xf32> to vector<512xf32>
    %broadcast_in_dim3A_109 = vector.shape_cast %get3A_108 : vector<512xf32> to vector<1x512xf32>
    %add3A_110 = vector.broadcast %broadcast_in_dim3A : vector<1536x1xf32> to vector<1536x512xf32>
    %add3A_111 = vector.broadcast %broadcast_in_dim3A_109 : vector<1x512xf32> to vector<1536x512xf32>
    %add3A_112 = arith.addf %add3A_110, %add3A_111 : vector<1536x512xf32>
    %add3A_113 = arith.addf %add3A_112, %dot_general3A_103 : vector<1536x512xf32>
    %max3A_114 = arith.constant 0.000000e+00 : f32
    %max3A_115 = vector.broadcast %max3A_114 : f32 to vector<1536x512xf32>
    %max3A_116 = arith.maximumf %add3A_113, %max3A_115 : vector<1536x512xf32>
    %eq3A_117 = arith.constant 0.000000e+00 : f32
    %eq3A_118 = vector.broadcast %eq3A_117 : f32 to vector<1536x512xf32>
    %eq3A_119 = arith.cmpf oeq, %max3A_116, %eq3A_118 : vector<1536x512xf32>
    %rsqrt3A_120 = math.rsqrt %max3A_116 : vector<1536x512xf32>
    %mul3A_121 = arith.mulf %max3A_116, %rsqrt3A_120 : vector<1536x512xf32>
    %jit3A_122 = arith.constant 0.000000e+00 : f32
    %broadcast_in_dim3A_123 = vector.broadcast %jit3A_122 : f32 to vector<1536x512xf32>
    %select_n3A_124 = arith.select %eq3A_119, %broadcast_in_dim3A_123, %mul3A_121 : vector<1536x512xi1>, vector<1536x512xf32>
    %reduce_min3A_125 = arith.constant dense<0x7F800000> : vector<1536xf32>
    %reduce_min3A_126 = vector.multi_reduction <minimumf>, %select_n3A_124, %reduce_min3A_125 [1] : vector<1536x512xf32> to vector<1536xf32>
    %broadcast_in_dim3A_127 = vector.shape_cast %reduce_min3A_126 : vector<1536xf32> to vector<1536x1xf32>
    %eq3A_128 = vector.broadcast %broadcast_in_dim3A_127 : vector<1536x1xf32> to vector<1536x512xf32>
    %eq3A_129 = arith.cmpf oeq, %select_n3A_124, %eq3A_128 : vector<1536x512xf32>
    %jit3A_130 = arith.constant 0x7F800000 : f32
    %broadcast_in_dim3A_131 = vector.broadcast %jit3A_130 : f32 to vector<1536x512xf32>
    %select_n3A_132 = arith.select %eq3A_129, %convert_element_type3A_9, %broadcast_in_dim3A_131 : vector<1536x512xi1>, vector<1536x512xf32>
    %reduce_min3A_133 = arith.constant dense<0x7F800000> : vector<1536xf32>
    %reduce_min3A_134 = vector.multi_reduction <minimumf>, %select_n3A_132, %reduce_min3A_133 [1] : vector<1536x512xf32> to vector<1536xf32>
    %broadcast_in_dim3A_135 = vector.shape_cast %reduce_min3A_134 : vector<1536xf32> to vector<1536x1xf32>
    %lt3A_136 = arith.cmpf olt, %broadcast_in_dim3A_127, %select_n3A_92 : vector<1536x1xf32>
    %select_n3A_137 = arith.select %lt3A_136, %broadcast_in_dim3A_127, %select_n3A_92 : vector<1536x1xi1>, vector<1536x1xf32>
    %select_n3A_138 = arith.select %lt3A_136, %broadcast_in_dim3A_135, %select_n3A_93 : vector<1536x1xi1>, vector<1536x1xf32>
    %jit3A_139 = arith.constant 2.000000e+00 : f32
    %broadcast_in_dim3A_140 = vector.broadcast %jit3A_139 : f32 to vector<1536x1xf32>
    %select_n3A_141 = arith.select %lt3A_136, %broadcast_in_dim3A_140, %select_n3A_96 : vector<1536x1xi1>, vector<1536x1xf32>
    %get3A_142 = arith.constant 0 : index
    %get3A_143 = arith.constant 1536 : index
    %get3A_144 = arith.constant 0 : index
    %get3A_145 = vector.load %arg5[%get3A_142, %get3A_143, %get3A_144] : memref<1x8192x256xbf16, #tpu.memory_space<vmem>>, vector<1x512x256xbf16>
    %get3A_146 = vector.shape_cast %get3A_145 : vector<1x512x256xbf16> to vector<512x256xbf16>
    %dot_general3A_147 = arith.constant dense<0.000000e+00> : vector<1536x512xf32>
    %dot_general3A_148 = tpu.matmul %convert_element_type3A, %get3A_146, %dot_general3A_147 {dimension_numbers = #tpu.dot_dimension_numbers<[1], [1], [0], [0], [0, 0, 1, 0], [], []>, transpose_lhs_hint = false} : vector<1536x256xbf16>, vector<512x256xbf16>, vector<1536x512xf32> -> vector<1536x512xf32>
    %get3A_149 = arith.constant 0 : index
    %get3A_150 = arith.constant 0 : index
    %get3A_151 = arith.constant 1536 : index
    %get3A_152 = vector.load %arg3[%get3A_149, %get3A_150, %get3A_151] : memref<1x1x8192xf32, #tpu.memory_space<vmem>>, vector<1x1x512xf32>
    %get3A_153 = vector.shape_cast %get3A_152 : vector<1x1x512xf32> to vector<512xf32>
    %broadcast_in_dim3A_154 = vector.shape_cast %get3A_153 : vector<512xf32> to vector<1x512xf32>
    %add3A_155 = vector.broadcast %broadcast_in_dim3A : vector<1536x1xf32> to vector<1536x512xf32>
    %add3A_156 = vector.broadcast %broadcast_in_dim3A_154 : vector<1x512xf32> to vector<1536x512xf32>
    %add3A_157 = arith.addf %add3A_155, %add3A_156 : vector<1536x512xf32>
    %add3A_158 = arith.addf %add3A_157, %dot_general3A_148 : vector<1536x512xf32>
    %max3A_159 = arith.constant 0.000000e+00 : f32
    %max3A_160 = vector.broadcast %max3A_159 : f32 to vector<1536x512xf32>
    %max3A_161 = arith.maximumf %add3A_158, %max3A_160 : vector<1536x512xf32>
    %eq3A_162 = arith.constant 0.000000e+00 : f32
    %eq3A_163 = vector.broadcast %eq3A_162 : f32 to vector<1536x512xf32>
    %eq3A_164 = arith.cmpf oeq, %max3A_161, %eq3A_163 : vector<1536x512xf32>
    %rsqrt3A_165 = math.rsqrt %max3A_161 : vector<1536x512xf32>
    %mul3A_166 = arith.mulf %max3A_161, %rsqrt3A_165 : vector<1536x512xf32>
    %jit3A_167 = arith.constant 0.000000e+00 : f32
    %broadcast_in_dim3A_168 = vector.broadcast %jit3A_167 : f32 to vector<1536x512xf32>
    %select_n3A_169 = arith.select %eq3A_164, %broadcast_in_dim3A_168, %mul3A_166 : vector<1536x512xi1>, vector<1536x512xf32>
    %reduce_min3A_170 = arith.constant dense<0x7F800000> : vector<1536xf32>
    %reduce_min3A_171 = vector.multi_reduction <minimumf>, %select_n3A_169, %reduce_min3A_170 [1] : vector<1536x512xf32> to vector<1536xf32>
    %broadcast_in_dim3A_172 = vector.shape_cast %reduce_min3A_171 : vector<1536xf32> to vector<1536x1xf32>
    %eq3A_173 = vector.broadcast %broadcast_in_dim3A_172 : vector<1536x1xf32> to vector<1536x512xf32>
    %eq3A_174 = arith.cmpf oeq, %select_n3A_169, %eq3A_173 : vector<1536x512xf32>
    %jit3A_175 = arith.constant 0x7F800000 : f32
    %broadcast_in_dim3A_176 = vector.broadcast %jit3A_175 : f32 to vector<1536x512xf32>
    %select_n3A_177 = arith.select %eq3A_174, %convert_element_type3A_9, %broadcast_in_dim3A_176 : vector<1536x512xi1>, vector<1536x512xf32>
    %reduce_min3A_178 = arith.constant dense<0x7F800000> : vector<1536xf32>
    %reduce_min3A_179 = vector.multi_reduction <minimumf>, %select_n3A_177, %reduce_min3A_178 [1] : vector<1536x512xf32> to vector<1536xf32>
    %broadcast_in_dim3A_180 = vector.shape_cast %reduce_min3A_179 : vector<1536xf32> to vector<1536x1xf32>
    %lt3A_181 = arith.cmpf olt, %broadcast_in_dim3A_172, %select_n3A_137 : vector<1536x1xf32>
    %select_n3A_182 = arith.select %lt3A_181, %broadcast_in_dim3A_172, %select_n3A_137 : vector<1536x1xi1>, vector<1536x1xf32>
    %select_n3A_183 = arith.select %lt3A_181, %broadcast_in_dim3A_180, %select_n3A_138 : vector<1536x1xi1>, vector<1536x1xf32>
    %jit3A_184 = arith.constant 3.000000e+00 : f32
    %broadcast_in_dim3A_185 = vector.broadcast %jit3A_184 : f32 to vector<1536x1xf32>
    %select_n3A_186 = arith.select %lt3A_181, %broadcast_in_dim3A_185, %select_n3A_141 : vector<1536x1xi1>, vector<1536x1xf32>
    %get3A_187 = arith.constant 0 : index
    %get3A_188 = arith.constant 2048 : index
    %get3A_189 = arith.constant 0 : index
    %get3A_190 = vector.load %arg5[%get3A_187, %get3A_188, %get3A_189] : memref<1x8192x256xbf16, #tpu.memory_space<vmem>>, vector<1x512x256xbf16>
    %get3A_191 = vector.shape_cast %get3A_190 : vector<1x512x256xbf16> to vector<512x256xbf16>
    %dot_general3A_192 = arith.constant dense<0.000000e+00> : vector<1536x512xf32>
    %dot_general3A_193 = tpu.matmul %convert_element_type3A, %get3A_191, %dot_general3A_192 {dimension_numbers = #tpu.dot_dimension_numbers<[1], [1], [0], [0], [0, 0, 1, 0], [], []>, transpose_lhs_hint = false} : vector<1536x256xbf16>, vector<512x256xbf16>, vector<1536x512xf32> -> vector<1536x512xf32>
    %get3A_194 = arith.constant 0 : index
    %get3A_195 = arith.constant 0 : index
    %get3A_196 = arith.constant 2048 : index
    %get3A_197 = vector.load %arg3[%get3A_194, %get3A_195, %get3A_196] : memref<1x1x8192xf32, #tpu.memory_space<vmem>>, vector<1x1x512xf32>
    %get3A_198 = vector.shape_cast %get3A_197 : vector<1x1x512xf32> to vector<512xf32>
    %broadcast_in_dim3A_199 = vector.shape_cast %get3A_198 : vector<512xf32> to vector<1x512xf32>
    %add3A_200 = vector.broadcast %broadcast_in_dim3A : vector<1536x1xf32> to vector<1536x512xf32>
    %add3A_201 = vector.broadcast %broadcast_in_dim3A_199 : vector<1x512xf32> to vector<1536x512xf32>
    %add3A_202 = arith.addf %add3A_200, %add3A_201 : vector<1536x512xf32>
    %add3A_203 = arith.addf %add3A_202, %dot_general3A_193 : vector<1536x512xf32>
    %max3A_204 = arith.constant 0.000000e+00 : f32
    %max3A_205 = vector.broadcast %max3A_204 : f32 to vector<1536x512xf32>
    %max3A_206 = arith.maximumf %add3A_203, %max3A_205 : vector<1536x512xf32>
    %eq3A_207 = arith.constant 0.000000e+00 : f32
    %eq3A_208 = vector.broadcast %eq3A_207 : f32 to vector<1536x512xf32>
    %eq3A_209 = arith.cmpf oeq, %max3A_206, %eq3A_208 : vector<1536x512xf32>
    %rsqrt3A_210 = math.rsqrt %max3A_206 : vector<1536x512xf32>
    %mul3A_211 = arith.mulf %max3A_206, %rsqrt3A_210 : vector<1536x512xf32>
    %jit3A_212 = arith.constant 0.000000e+00 : f32
    %broadcast_in_dim3A_213 = vector.broadcast %jit3A_212 : f32 to vector<1536x512xf32>
    %select_n3A_214 = arith.select %eq3A_209, %broadcast_in_dim3A_213, %mul3A_211 : vector<1536x512xi1>, vector<1536x512xf32>
    %reduce_min3A_215 = arith.constant dense<0x7F800000> : vector<1536xf32>
    %reduce_min3A_216 = vector.multi_reduction <minimumf>, %select_n3A_214, %reduce_min3A_215 [1] : vector<1536x512xf32> to vector<1536xf32>
    %broadcast_in_dim3A_217 = vector.shape_cast %reduce_min3A_216 : vector<1536xf32> to vector<1536x1xf32>
    %eq3A_218 = vector.broadcast %broadcast_in_dim3A_217 : vector<1536x1xf32> to vector<1536x512xf32>
    %eq3A_219 = arith.cmpf oeq, %select_n3A_214, %eq3A_218 : vector<1536x512xf32>
    %jit3A_220 = arith.constant 0x7F800000 : f32
    %broadcast_in_dim3A_221 = vector.broadcast %jit3A_220 : f32 to vector<1536x512xf32>
    %select_n3A_222 = arith.select %eq3A_219, %convert_element_type3A_9, %broadcast_in_dim3A_221 : vector<1536x512xi1>, vector<1536x512xf32>
    %reduce_min3A_223 = arith.constant dense<0x7F800000> : vector<1536xf32>
    %reduce_min3A_224 = vector.multi_reduction <minimumf>, %select_n3A_222, %reduce_min3A_223 [1] : vector<1536x512xf32> to vector<1536xf32>
    %broadcast_in_dim3A_225 = vector.shape_cast %reduce_min3A_224 : vector<1536xf32> to vector<1536x1xf32>
    %lt3A_226 = arith.cmpf olt, %broadcast_in_dim3A_217, %select_n3A_182 : vector<1536x1xf32>
    %select_n3A_227 = arith.select %lt3A_226, %broadcast_in_dim3A_217, %select_n3A_182 : vector<1536x1xi1>, vector<1536x1xf32>
    %select_n3A_228 = arith.select %lt3A_226, %broadcast_in_dim3A_225, %select_n3A_183 : vector<1536x1xi1>, vector<1536x1xf32>
    %jit3A_229 = arith.constant 4.000000e+00 : f32
    %broadcast_in_dim3A_230 = vector.broadcast %jit3A_229 : f32 to vector<1536x1xf32>
    %select_n3A_231 = arith.select %lt3A_226, %broadcast_in_dim3A_230, %select_n3A_186 : vector<1536x1xi1>, vector<1536x1xf32>
    %get3A_232 = arith.constant 0 : index
    %get3A_233 = arith.constant 2560 : index
    %get3A_234 = arith.constant 0 : index
    %get3A_235 = vector.load %arg5[%get3A_232, %get3A_233, %get3A_234] : memref<1x8192x256xbf16, #tpu.memory_space<vmem>>, vector<1x512x256xbf16>
    %get3A_236 = vector.shape_cast %get3A_235 : vector<1x512x256xbf16> to vector<512x256xbf16>
    %dot_general3A_237 = arith.constant dense<0.000000e+00> : vector<1536x512xf32>
    %dot_general3A_238 = tpu.matmul %convert_element_type3A, %get3A_236, %dot_general3A_237 {dimension_numbers = #tpu.dot_dimension_numbers<[1], [1], [0], [0], [0, 0, 1, 0], [], []>, transpose_lhs_hint = false} : vector<1536x256xbf16>, vector<512x256xbf16>, vector<1536x512xf32> -> vector<1536x512xf32>
    %get3A_239 = arith.constant 0 : index
    %get3A_240 = arith.constant 0 : index
    %get3A_241 = arith.constant 2560 : index
    %get3A_242 = vector.load %arg3[%get3A_239, %get3A_240, %get3A_241] : memref<1x1x8192xf32, #tpu.memory_space<vmem>>, vector<1x1x512xf32>
    %get3A_243 = vector.shape_cast %get3A_242 : vector<1x1x512xf32> to vector<512xf32>
    %broadcast_in_dim3A_244 = vector.shape_cast %get3A_243 : vector<512xf32> to vector<1x512xf32>
    %add3A_245 = vector.broadcast %broadcast_in_dim3A : vector<1536x1xf32> to vector<1536x512xf32>
    %add3A_246 = vector.broadcast %broadcast_in_dim3A_244 : vector<1x512xf32> to vector<1536x512xf32>
    %add3A_247 = arith.addf %add3A_245, %add3A_246 : vector<1536x512xf32>
    %add3A_248 = arith.addf %add3A_247, %dot_general3A_238 : vector<1536x512xf32>
    %max3A_249 = arith.constant 0.000000e+00 : f32
    %max3A_250 = vector.broadcast %max3A_249 : f32 to vector<1536x512xf32>
    %max3A_251 = arith.maximumf %add3A_248, %max3A_250 : vector<1536x512xf32>
    %eq3A_252 = arith.constant 0.000000e+00 : f32
    %eq3A_253 = vector.broadcast %eq3A_252 : f32 to vector<1536x512xf32>
    %eq3A_254 = arith.cmpf oeq, %max3A_251, %eq3A_253 : vector<1536x512xf32>
    %rsqrt3A_255 = math.rsqrt %max3A_251 : vector<1536x512xf32>
    %mul3A_256 = arith.mulf %max3A_251, %rsqrt3A_255 : vector<1536x512xf32>
    %jit3A_257 = arith.constant 0.000000e+00 : f32
    %broadcast_in_dim3A_258 = vector.broadcast %jit3A_257 : f32 to vector<1536x512xf32>
    %select_n3A_259 = arith.select %eq3A_254, %broadcast_in_dim3A_258, %mul3A_256 : vector<1536x512xi1>, vector<1536x512xf32>
    %reduce_min3A_260 = arith.constant dense<0x7F800000> : vector<1536xf32>
    %reduce_min3A_261 = vector.multi_reduction <minimumf>, %select_n3A_259, %reduce_min3A_260 [1] : vector<1536x512xf32> to vector<1536xf32>
    %broadcast_in_dim3A_262 = vector.shape_cast %reduce_min3A_261 : vector<1536xf32> to vector<1536x1xf32>
    %eq3A_263 = vector.broadcast %broadcast_in_dim3A_262 : vector<1536x1xf32> to vector<1536x512xf32>
    %eq3A_264 = arith.cmpf oeq, %select_n3A_259, %eq3A_263 : vector<1536x512xf32>
    %jit3A_265 = arith.constant 0x7F800000 : f32
    %broadcast_in_dim3A_266 = vector.broadcast %jit3A_265 : f32 to vector<1536x512xf32>
    %select_n3A_267 = arith.select %eq3A_264, %convert_element_type3A_9, %broadcast_in_dim3A_266 : vector<1536x512xi1>, vector<1536x512xf32>
    %reduce_min3A_268 = arith.constant dense<0x7F800000> : vector<1536xf32>
    %reduce_min3A_269 = vector.multi_reduction <minimumf>, %select_n3A_267, %reduce_min3A_268 [1] : vector<1536x512xf32> to vector<1536xf32>
    %broadcast_in_dim3A_270 = vector.shape_cast %reduce_min3A_269 : vector<1536xf32> to vector<1536x1xf32>
    %lt3A_271 = arith.cmpf olt, %broadcast_in_dim3A_262, %select_n3A_227 : vector<1536x1xf32>
    %select_n3A_272 = arith.select %lt3A_271, %broadcast_in_dim3A_262, %select_n3A_227 : vector<1536x1xi1>, vector<1536x1xf32>
    %select_n3A_273 = arith.select %lt3A_271, %broadcast_in_dim3A_270, %select_n3A_228 : vector<1536x1xi1>, vector<1536x1xf32>
    %jit3A_274 = arith.constant 5.000000e+00 : f32
    %broadcast_in_dim3A_275 = vector.broadcast %jit3A_274 : f32 to vector<1536x1xf32>
    %select_n3A_276 = arith.select %lt3A_271, %broadcast_in_dim3A_275, %select_n3A_231 : vector<1536x1xi1>, vector<1536x1xf32>
    %get3A_277 = arith.constant 0 : index
    %get3A_278 = arith.constant 3072 : index
    %get3A_279 = arith.constant 0 : index
    %get3A_280 = vector.load %arg5[%get3A_277, %get3A_278, %get3A_279] : memref<1x8192x256xbf16, #tpu.memory_space<vmem>>, vector<1x512x256xbf16>
    %get3A_281 = vector.shape_cast %get3A_280 : vector<1x512x256xbf16> to vector<512x256xbf16>
    %dot_general3A_282 = arith.constant dense<0.000000e+00> : vector<1536x512xf32>
    %dot_general3A_283 = tpu.matmul %convert_element_type3A, %get3A_281, %dot_general3A_282 {dimension_numbers = #tpu.dot_dimension_numbers<[1], [1], [0], [0], [0, 0, 1, 0], [], []>, transpose_lhs_hint = false} : vector<1536x256xbf16>, vector<512x256xbf16>, vector<1536x512xf32> -> vector<1536x512xf32>
    %get3A_284 = arith.constant 0 : index
    %get3A_285 = arith.constant 0 : index
    %get3A_286 = arith.constant 3072 : index
    %get3A_287 = vector.load %arg3[%get3A_284, %get3A_285, %get3A_286] : memref<1x1x8192xf32, #tpu.memory_space<vmem>>, vector<1x1x512xf32>
    %get3A_288 = vector.shape_cast %get3A_287 : vector<1x1x512xf32> to vector<512xf32>
    %broadcast_in_dim3A_289 = vector.shape_cast %get3A_288 : vector<512xf32> to vector<1x512xf32>
    %add3A_290 = vector.broadcast %broadcast_in_dim3A : vector<1536x1xf32> to vector<1536x512xf32>
    %add3A_291 = vector.broadcast %broadcast_in_dim3A_289 : vector<1x512xf32> to vector<1536x512xf32>
    %add3A_292 = arith.addf %add3A_290, %add3A_291 : vector<1536x512xf32>
    %add3A_293 = arith.addf %add3A_292, %dot_general3A_283 : vector<1536x512xf32>
    %max3A_294 = arith.constant 0.000000e+00 : f32
    %max3A_295 = vector.broadcast %max3A_294 : f32 to vector<1536x512xf32>
    %max3A_296 = arith.maximumf %add3A_293, %max3A_295 : vector<1536x512xf32>
    %eq3A_297 = arith.constant 0.000000e+00 : f32
    %eq3A_298 = vector.broadcast %eq3A_297 : f32 to vector<1536x512xf32>
    %eq3A_299 = arith.cmpf oeq, %max3A_296, %eq3A_298 : vector<1536x512xf32>
    %rsqrt3A_300 = math.rsqrt %max3A_296 : vector<1536x512xf32>
    %mul3A_301 = arith.mulf %max3A_296, %rsqrt3A_300 : vector<1536x512xf32>
    %jit3A_302 = arith.constant 0.000000e+00 : f32
    %broadcast_in_dim3A_303 = vector.broadcast %jit3A_302 : f32 to vector<1536x512xf32>
    %select_n3A_304 = arith.select %eq3A_299, %broadcast_in_dim3A_303, %mul3A_301 : vector<1536x512xi1>, vector<1536x512xf32>
    %reduce_min3A_305 = arith.constant dense<0x7F800000> : vector<1536xf32>
    %reduce_min3A_306 = vector.multi_reduction <minimumf>, %select_n3A_304, %reduce_min3A_305 [1] : vector<1536x512xf32> to vector<1536xf32>
    %broadcast_in_dim3A_307 = vector.shape_cast %reduce_min3A_306 : vector<1536xf32> to vector<1536x1xf32>
    %eq3A_308 = vector.broadcast %broadcast_in_dim3A_307 : vector<1536x1xf32> to vector<1536x512xf32>
    %eq3A_309 = arith.cmpf oeq, %select_n3A_304, %eq3A_308 : vector<1536x512xf32>
    %jit3A_310 = arith.constant 0x7F800000 : f32
    %broadcast_in_dim3A_311 = vector.broadcast %jit3A_310 : f32 to vector<1536x512xf32>
    %select_n3A_312 = arith.select %eq3A_309, %convert_element_type3A_9, %broadcast_in_dim3A_311 : vector<1536x512xi1>, vector<1536x512xf32>
    %reduce_min3A_313 = arith.constant dense<0x7F800000> : vector<1536xf32>
    %reduce_min3A_314 = vector.multi_reduction <minimumf>, %select_n3A_312, %reduce_min3A_313 [1] : vector<1536x512xf32> to vector<1536xf32>
    %broadcast_in_dim3A_315 = vector.shape_cast %reduce_min3A_314 : vector<1536xf32> to vector<1536x1xf32>
    %lt3A_316 = arith.cmpf olt, %broadcast_in_dim3A_307, %select_n3A_272 : vector<1536x1xf32>
    %select_n3A_317 = arith.select %lt3A_316, %broadcast_in_dim3A_307, %select_n3A_272 : vector<1536x1xi1>, vector<1536x1xf32>
    %select_n3A_318 = arith.select %lt3A_316, %broadcast_in_dim3A_315, %select_n3A_273 : vector<1536x1xi1>, vector<1536x1xf32>
    %jit3A_319 = arith.constant 6.000000e+00 : f32
    %broadcast_in_dim3A_320 = vector.broadcast %jit3A_319 : f32 to vector<1536x1xf32>
    %select_n3A_321 = arith.select %lt3A_316, %broadcast_in_dim3A_320, %select_n3A_276 : vector<1536x1xi1>, vector<1536x1xf32>
    %get3A_322 = arith.constant 0 : index
    %get3A_323 = arith.constant 3584 : index
    %get3A_324 = arith.constant 0 : index
    %get3A_325 = vector.load %arg5[%get3A_322, %get3A_323, %get3A_324] : memref<1x8192x256xbf16, #tpu.memory_space<vmem>>, vector<1x512x256xbf16>
    %get3A_326 = vector.shape_cast %get3A_325 : vector<1x512x256xbf16> to vector<512x256xbf16>
    %dot_general3A_327 = arith.constant dense<0.000000e+00> : vector<1536x512xf32>
    %dot_general3A_328 = tpu.matmul %convert_element_type3A, %get3A_326, %dot_general3A_327 {dimension_numbers = #tpu.dot_dimension_numbers<[1], [1], [0], [0], [0, 0, 1, 0], [], []>, transpose_lhs_hint = false} : vector<1536x256xbf16>, vector<512x256xbf16>, vector<1536x512xf32> -> vector<1536x512xf32>
    %get3A_329 = arith.constant 0 : index
    %get3A_330 = arith.constant 0 : index
    %get3A_331 = arith.constant 3584 : index
    %get3A_332 = vector.load %arg3[%get3A_329, %get3A_330, %get3A_331] : memref<1x1x8192xf32, #tpu.memory_space<vmem>>, vector<1x1x512xf32>
    %get3A_333 = vector.shape_cast %get3A_332 : vector<1x1x512xf32> to vector<512xf32>
    %broadcast_in_dim3A_334 = vector.shape_cast %get3A_333 : vector<512xf32> to vector<1x512xf32>
    %add3A_335 = vector.broadcast %broadcast_in_dim3A : vector<1536x1xf32> to vector<1536x512xf32>
    %add3A_336 = vector.broadcast %broadcast_in_dim3A_334 : vector<1x512xf32> to vector<1536x512xf32>
    %add3A_337 = arith.addf %add3A_335, %add3A_336 : vector<1536x512xf32>
    %add3A_338 = arith.addf %add3A_337, %dot_general3A_328 : vector<1536x512xf32>
    %max3A_339 = arith.constant 0.000000e+00 : f32
    %max3A_340 = vector.broadcast %max3A_339 : f32 to vector<1536x512xf32>
    %max3A_341 = arith.maximumf %add3A_338, %max3A_340 : vector<1536x512xf32>
    %eq3A_342 = arith.constant 0.000000e+00 : f32
    %eq3A_343 = vector.broadcast %eq3A_342 : f32 to vector<1536x512xf32>
    %eq3A_344 = arith.cmpf oeq, %max3A_341, %eq3A_343 : vector<1536x512xf32>
    %rsqrt3A_345 = math.rsqrt %max3A_341 : vector<1536x512xf32>
    %mul3A_346 = arith.mulf %max3A_341, %rsqrt3A_345 : vector<1536x512xf32>
    %jit3A_347 = arith.constant 0.000000e+00 : f32
    %broadcast_in_dim3A_348 = vector.broadcast %jit3A_347 : f32 to vector<1536x512xf32>
    %select_n3A_349 = arith.select %eq3A_344, %broadcast_in_dim3A_348, %mul3A_346 : vector<1536x512xi1>, vector<1536x512xf32>
    %reduce_min3A_350 = arith.constant dense<0x7F800000> : vector<1536xf32>
    %reduce_min3A_351 = vector.multi_reduction <minimumf>, %select_n3A_349, %reduce_min3A_350 [1] : vector<1536x512xf32> to vector<1536xf32>
    %broadcast_in_dim3A_352 = vector.shape_cast %reduce_min3A_351 : vector<1536xf32> to vector<1536x1xf32>
    %eq3A_353 = vector.broadcast %broadcast_in_dim3A_352 : vector<1536x1xf32> to vector<1536x512xf32>
    %eq3A_354 = arith.cmpf oeq, %select_n3A_349, %eq3A_353 : vector<1536x512xf32>
    %jit3A_355 = arith.constant 0x7F800000 : f32
    %broadcast_in_dim3A_356 = vector.broadcast %jit3A_355 : f32 to vector<1536x512xf32>
    %select_n3A_357 = arith.select %eq3A_354, %convert_element_type3A_9, %broadcast_in_dim3A_356 : vector<1536x512xi1>, vector<1536x512xf32>
    %reduce_min3A_358 = arith.constant dense<0x7F800000> : vector<1536xf32>
    %reduce_min3A_359 = vector.multi_reduction <minimumf>, %select_n3A_357, %reduce_min3A_358 [1] : vector<1536x512xf32> to vector<1536xf32>
    %broadcast_in_dim3A_360 = vector.shape_cast %reduce_min3A_359 : vector<1536xf32> to vector<1536x1xf32>
    %lt3A_361 = arith.cmpf olt, %broadcast_in_dim3A_352, %select_n3A_317 : vector<1536x1xf32>
    %select_n3A_362 = arith.select %lt3A_361, %broadcast_in_dim3A_352, %select_n3A_317 : vector<1536x1xi1>, vector<1536x1xf32>
    %select_n3A_363 = arith.select %lt3A_361, %broadcast_in_dim3A_360, %select_n3A_318 : vector<1536x1xi1>, vector<1536x1xf32>
    %jit3A_364 = arith.constant 7.000000e+00 : f32
    %broadcast_in_dim3A_365 = vector.broadcast %jit3A_364 : f32 to vector<1536x1xf32>
    %select_n3A_366 = arith.select %lt3A_361, %broadcast_in_dim3A_365, %select_n3A_321 : vector<1536x1xi1>, vector<1536x1xf32>
    %get3A_367 = arith.constant 0 : index
    %get3A_368 = arith.constant 4096 : index
    %get3A_369 = arith.constant 0 : index
    %get3A_370 = vector.load %arg5[%get3A_367, %get3A_368, %get3A_369] : memref<1x8192x256xbf16, #tpu.memory_space<vmem>>, vector<1x512x256xbf16>
    %get3A_371 = vector.shape_cast %get3A_370 : vector<1x512x256xbf16> to vector<512x256xbf16>
    %dot_general3A_372 = arith.constant dense<0.000000e+00> : vector<1536x512xf32>
    %dot_general3A_373 = tpu.matmul %convert_element_type3A, %get3A_371, %dot_general3A_372 {dimension_numbers = #tpu.dot_dimension_numbers<[1], [1], [0], [0], [0, 0, 1, 0], [], []>, transpose_lhs_hint = false} : vector<1536x256xbf16>, vector<512x256xbf16>, vector<1536x512xf32> -> vector<1536x512xf32>
    %get3A_374 = arith.constant 0 : index
    %get3A_375 = arith.constant 0 : index
    %get3A_376 = arith.constant 4096 : index
    %get3A_377 = vector.load %arg3[%get3A_374, %get3A_375, %get3A_376] : memref<1x1x8192xf32, #tpu.memory_space<vmem>>, vector<1x1x512xf32>
    %get3A_378 = vector.shape_cast %get3A_377 : vector<1x1x512xf32> to vector<512xf32>
    %broadcast_in_dim3A_379 = vector.shape_cast %get3A_378 : vector<512xf32> to vector<1x512xf32>
    %add3A_380 = vector.broadcast %broadcast_in_dim3A : vector<1536x1xf32> to vector<1536x512xf32>
    %add3A_381 = vector.broadcast %broadcast_in_dim3A_379 : vector<1x512xf32> to vector<1536x512xf32>
    %add3A_382 = arith.addf %add3A_380, %add3A_381 : vector<1536x512xf32>
    %add3A_383 = arith.addf %add3A_382, %dot_general3A_373 : vector<1536x512xf32>
    %max3A_384 = arith.constant 0.000000e+00 : f32
    %max3A_385 = vector.broadcast %max3A_384 : f32 to vector<1536x512xf32>
    %max3A_386 = arith.maximumf %add3A_383, %max3A_385 : vector<1536x512xf32>
    %eq3A_387 = arith.constant 0.000000e+00 : f32
    %eq3A_388 = vector.broadcast %eq3A_387 : f32 to vector<1536x512xf32>
    %eq3A_389 = arith.cmpf oeq, %max3A_386, %eq3A_388 : vector<1536x512xf32>
    %rsqrt3A_390 = math.rsqrt %max3A_386 : vector<1536x512xf32>
    %mul3A_391 = arith.mulf %max3A_386, %rsqrt3A_390 : vector<1536x512xf32>
    %jit3A_392 = arith.constant 0.000000e+00 : f32
    %broadcast_in_dim3A_393 = vector.broadcast %jit3A_392 : f32 to vector<1536x512xf32>
    %select_n3A_394 = arith.select %eq3A_389, %broadcast_in_dim3A_393, %mul3A_391 : vector<1536x512xi1>, vector<1536x512xf32>
    %reduce_min3A_395 = arith.constant dense<0x7F800000> : vector<1536xf32>
    %reduce_min3A_396 = vector.multi_reduction <minimumf>, %select_n3A_394, %reduce_min3A_395 [1] : vector<1536x512xf32> to vector<1536xf32>
    %broadcast_in_dim3A_397 = vector.shape_cast %reduce_min3A_396 : vector<1536xf32> to vector<1536x1xf32>
    %eq3A_398 = vector.broadcast %broadcast_in_dim3A_397 : vector<1536x1xf32> to vector<1536x512xf32>
    %eq3A_399 = arith.cmpf oeq, %select_n3A_394, %eq3A_398 : vector<1536x512xf32>
    %jit3A_400 = arith.constant 0x7F800000 : f32
    %broadcast_in_dim3A_401 = vector.broadcast %jit3A_400 : f32 to vector<1536x512xf32>
    %select_n3A_402 = arith.select %eq3A_399, %convert_element_type3A_9, %broadcast_in_dim3A_401 : vector<1536x512xi1>, vector<1536x512xf32>
    %reduce_min3A_403 = arith.constant dense<0x7F800000> : vector<1536xf32>
    %reduce_min3A_404 = vector.multi_reduction <minimumf>, %select_n3A_402, %reduce_min3A_403 [1] : vector<1536x512xf32> to vector<1536xf32>
    %broadcast_in_dim3A_405 = vector.shape_cast %reduce_min3A_404 : vector<1536xf32> to vector<1536x1xf32>
    %lt3A_406 = arith.cmpf olt, %broadcast_in_dim3A_397, %select_n3A_362 : vector<1536x1xf32>
    %select_n3A_407 = arith.select %lt3A_406, %broadcast_in_dim3A_397, %select_n3A_362 : vector<1536x1xi1>, vector<1536x1xf32>
    %select_n3A_408 = arith.select %lt3A_406, %broadcast_in_dim3A_405, %select_n3A_363 : vector<1536x1xi1>, vector<1536x1xf32>
    %jit3A_409 = arith.constant 8.000000e+00 : f32
    %broadcast_in_dim3A_410 = vector.broadcast %jit3A_409 : f32 to vector<1536x1xf32>
    %select_n3A_411 = arith.select %lt3A_406, %broadcast_in_dim3A_410, %select_n3A_366 : vector<1536x1xi1>, vector<1536x1xf32>
    %get3A_412 = arith.constant 0 : index
    %get3A_413 = arith.constant 4608 : index
    %get3A_414 = arith.constant 0 : index
    %get3A_415 = vector.load %arg5[%get3A_412, %get3A_413, %get3A_414] : memref<1x8192x256xbf16, #tpu.memory_space<vmem>>, vector<1x512x256xbf16>
    %get3A_416 = vector.shape_cast %get3A_415 : vector<1x512x256xbf16> to vector<512x256xbf16>
    %dot_general3A_417 = arith.constant dense<0.000000e+00> : vector<1536x512xf32>
    %dot_general3A_418 = tpu.matmul %convert_element_type3A, %get3A_416, %dot_general3A_417 {dimension_numbers = #tpu.dot_dimension_numbers<[1], [1], [0], [0], [0, 0, 1, 0], [], []>, transpose_lhs_hint = false} : vector<1536x256xbf16>, vector<512x256xbf16>, vector<1536x512xf32> -> vector<1536x512xf32>
    %get3A_419 = arith.constant 0 : index
    %get3A_420 = arith.constant 0 : index
    %get3A_421 = arith.constant 4608 : index
    %get3A_422 = vector.load %arg3[%get3A_419, %get3A_420, %get3A_421] : memref<1x1x8192xf32, #tpu.memory_space<vmem>>, vector<1x1x512xf32>
    %get3A_423 = vector.shape_cast %get3A_422 : vector<1x1x512xf32> to vector<512xf32>
    %broadcast_in_dim3A_424 = vector.shape_cast %get3A_423 : vector<512xf32> to vector<1x512xf32>
    %add3A_425 = vector.broadcast %broadcast_in_dim3A : vector<1536x1xf32> to vector<1536x512xf32>
    %add3A_426 = vector.broadcast %broadcast_in_dim3A_424 : vector<1x512xf32> to vector<1536x512xf32>
    %add3A_427 = arith.addf %add3A_425, %add3A_426 : vector<1536x512xf32>
    %add3A_428 = arith.addf %add3A_427, %dot_general3A_418 : vector<1536x512xf32>
    %max3A_429 = arith.constant 0.000000e+00 : f32
    %max3A_430 = vector.broadcast %max3A_429 : f32 to vector<1536x512xf32>
    %max3A_431 = arith.maximumf %add3A_428, %max3A_430 : vector<1536x512xf32>
    %eq3A_432 = arith.constant 0.000000e+00 : f32
    %eq3A_433 = vector.broadcast %eq3A_432 : f32 to vector<1536x512xf32>
    %eq3A_434 = arith.cmpf oeq, %max3A_431, %eq3A_433 : vector<1536x512xf32>
    %rsqrt3A_435 = math.rsqrt %max3A_431 : vector<1536x512xf32>
    %mul3A_436 = arith.mulf %max3A_431, %rsqrt3A_435 : vector<1536x512xf32>
    %jit3A_437 = arith.constant 0.000000e+00 : f32
    %broadcast_in_dim3A_438 = vector.broadcast %jit3A_437 : f32 to vector<1536x512xf32>
    %select_n3A_439 = arith.select %eq3A_434, %broadcast_in_dim3A_438, %mul3A_436 : vector<1536x512xi1>, vector<1536x512xf32>
    %reduce_min3A_440 = arith.constant dense<0x7F800000> : vector<1536xf32>
    %reduce_min3A_441 = vector.multi_reduction <minimumf>, %select_n3A_439, %reduce_min3A_440 [1] : vector<1536x512xf32> to vector<1536xf32>
    %broadcast_in_dim3A_442 = vector.shape_cast %reduce_min3A_441 : vector<1536xf32> to vector<1536x1xf32>
    %eq3A_443 = vector.broadcast %broadcast_in_dim3A_442 : vector<1536x1xf32> to vector<1536x512xf32>
    %eq3A_444 = arith.cmpf oeq, %select_n3A_439, %eq3A_443 : vector<1536x512xf32>
    %jit3A_445 = arith.constant 0x7F800000 : f32
    %broadcast_in_dim3A_446 = vector.broadcast %jit3A_445 : f32 to vector<1536x512xf32>
    %select_n3A_447 = arith.select %eq3A_444, %convert_element_type3A_9, %broadcast_in_dim3A_446 : vector<1536x512xi1>, vector<1536x512xf32>
    %reduce_min3A_448 = arith.constant dense<0x7F800000> : vector<1536xf32>
    %reduce_min3A_449 = vector.multi_reduction <minimumf>, %select_n3A_447, %reduce_min3A_448 [1] : vector<1536x512xf32> to vector<1536xf32>
    %broadcast_in_dim3A_450 = vector.shape_cast %reduce_min3A_449 : vector<1536xf32> to vector<1536x1xf32>
    %lt3A_451 = arith.cmpf olt, %broadcast_in_dim3A_442, %select_n3A_407 : vector<1536x1xf32>
    %select_n3A_452 = arith.select %lt3A_451, %broadcast_in_dim3A_442, %select_n3A_407 : vector<1536x1xi1>, vector<1536x1xf32>
    %select_n3A_453 = arith.select %lt3A_451, %broadcast_in_dim3A_450, %select_n3A_408 : vector<1536x1xi1>, vector<1536x1xf32>
    %jit3A_454 = arith.constant 9.000000e+00 : f32
    %broadcast_in_dim3A_455 = vector.broadcast %jit3A_454 : f32 to vector<1536x1xf32>
    %select_n3A_456 = arith.select %lt3A_451, %broadcast_in_dim3A_455, %select_n3A_411 : vector<1536x1xi1>, vector<1536x1xf32>
    %get3A_457 = arith.constant 0 : index
    %get3A_458 = arith.constant 5120 : index
    %get3A_459 = arith.constant 0 : index
    %get3A_460 = vector.load %arg5[%get3A_457, %get3A_458, %get3A_459] : memref<1x8192x256xbf16, #tpu.memory_space<vmem>>, vector<1x512x256xbf16>
    %get3A_461 = vector.shape_cast %get3A_460 : vector<1x512x256xbf16> to vector<512x256xbf16>
    %dot_general3A_462 = arith.constant dense<0.000000e+00> : vector<1536x512xf32>
    %dot_general3A_463 = tpu.matmul %convert_element_type3A, %get3A_461, %dot_general3A_462 {dimension_numbers = #tpu.dot_dimension_numbers<[1], [1], [0], [0], [0, 0, 1, 0], [], []>, transpose_lhs_hint = false} : vector<1536x256xbf16>, vector<512x256xbf16>, vector<1536x512xf32> -> vector<1536x512xf32>
    %get3A_464 = arith.constant 0 : index
    %get3A_465 = arith.constant 0 : index
    %get3A_466 = arith.constant 5120 : index
    %get3A_467 = vector.load %arg3[%get3A_464, %get3A_465, %get3A_466] : memref<1x1x8192xf32, #tpu.memory_space<vmem>>, vector<1x1x512xf32>
    %get3A_468 = vector.shape_cast %get3A_467 : vector<1x1x512xf32> to vector<512xf32>
    %broadcast_in_dim3A_469 = vector.shape_cast %get3A_468 : vector<512xf32> to vector<1x512xf32>
    %add3A_470 = vector.broadcast %broadcast_in_dim3A : vector<1536x1xf32> to vector<1536x512xf32>
    %add3A_471 = vector.broadcast %broadcast_in_dim3A_469 : vector<1x512xf32> to vector<1536x512xf32>
    %add3A_472 = arith.addf %add3A_470, %add3A_471 : vector<1536x512xf32>
    %add3A_473 = arith.addf %add3A_472, %dot_general3A_463 : vector<1536x512xf32>
    %max3A_474 = arith.constant 0.000000e+00 : f32
    %max3A_475 = vector.broadcast %max3A_474 : f32 to vector<1536x512xf32>
    %max3A_476 = arith.maximumf %add3A_473, %max3A_475 : vector<1536x512xf32>
    %eq3A_477 = arith.constant 0.000000e+00 : f32
    %eq3A_478 = vector.broadcast %eq3A_477 : f32 to vector<1536x512xf32>
    %eq3A_479 = arith.cmpf oeq, %max3A_476, %eq3A_478 : vector<1536x512xf32>
    %rsqrt3A_480 = math.rsqrt %max3A_476 : vector<1536x512xf32>
    %mul3A_481 = arith.mulf %max3A_476, %rsqrt3A_480 : vector<1536x512xf32>
    %jit3A_482 = arith.constant 0.000000e+00 : f32
    %broadcast_in_dim3A_483 = vector.broadcast %jit3A_482 : f32 to vector<1536x512xf32>
    %select_n3A_484 = arith.select %eq3A_479, %broadcast_in_dim3A_483, %mul3A_481 : vector<1536x512xi1>, vector<1536x512xf32>
    %reduce_min3A_485 = arith.constant dense<0x7F800000> : vector<1536xf32>
    %reduce_min3A_486 = vector.multi_reduction <minimumf>, %select_n3A_484, %reduce_min3A_485 [1] : vector<1536x512xf32> to vector<1536xf32>
    %broadcast_in_dim3A_487 = vector.shape_cast %reduce_min3A_486 : vector<1536xf32> to vector<1536x1xf32>
    %eq3A_488 = vector.broadcast %broadcast_in_dim3A_487 : vector<1536x1xf32> to vector<1536x512xf32>
    %eq3A_489 = arith.cmpf oeq, %select_n3A_484, %eq3A_488 : vector<1536x512xf32>
    %jit3A_490 = arith.constant 0x7F800000 : f32
    %broadcast_in_dim3A_491 = vector.broadcast %jit3A_490 : f32 to vector<1536x512xf32>
    %select_n3A_492 = arith.select %eq3A_489, %convert_element_type3A_9, %broadcast_in_dim3A_491 : vector<1536x512xi1>, vector<1536x512xf32>
    %reduce_min3A_493 = arith.constant dense<0x7F800000> : vector<1536xf32>
    %reduce_min3A_494 = vector.multi_reduction <minimumf>, %select_n3A_492, %reduce_min3A_493 [1] : vector<1536x512xf32> to vector<1536xf32>
    %broadcast_in_dim3A_495 = vector.shape_cast %reduce_min3A_494 : vector<1536xf32> to vector<1536x1xf32>
    %lt3A_496 = arith.cmpf olt, %broadcast_in_dim3A_487, %select_n3A_452 : vector<1536x1xf32>
    %select_n3A_497 = arith.select %lt3A_496, %broadcast_in_dim3A_487, %select_n3A_452 : vector<1536x1xi1>, vector<1536x1xf32>
    %select_n3A_498 = arith.select %lt3A_496, %broadcast_in_dim3A_495, %select_n3A_453 : vector<1536x1xi1>, vector<1536x1xf32>
    %jit3A_499 = arith.constant 1.000000e+01 : f32
    %broadcast_in_dim3A_500 = vector.broadcast %jit3A_499 : f32 to vector<1536x1xf32>
    %select_n3A_501 = arith.select %lt3A_496, %broadcast_in_dim3A_500, %select_n3A_456 : vector<1536x1xi1>, vector<1536x1xf32>
    %get3A_502 = arith.constant 0 : index
    %get3A_503 = arith.constant 5632 : index
    %get3A_504 = arith.constant 0 : index
    %get3A_505 = vector.load %arg5[%get3A_502, %get3A_503, %get3A_504] : memref<1x8192x256xbf16, #tpu.memory_space<vmem>>, vector<1x512x256xbf16>
    %get3A_506 = vector.shape_cast %get3A_505 : vector<1x512x256xbf16> to vector<512x256xbf16>
    %dot_general3A_507 = arith.constant dense<0.000000e+00> : vector<1536x512xf32>
    %dot_general3A_508 = tpu.matmul %convert_element_type3A, %get3A_506, %dot_general3A_507 {dimension_numbers = #tpu.dot_dimension_numbers<[1], [1], [0], [0], [0, 0, 1, 0], [], []>, transpose_lhs_hint = false} : vector<1536x256xbf16>, vector<512x256xbf16>, vector<1536x512xf32> -> vector<1536x512xf32>
    %get3A_509 = arith.constant 0 : index
    %get3A_510 = arith.constant 0 : index
    %get3A_511 = arith.constant 5632 : index
    %get3A_512 = vector.load %arg3[%get3A_509, %get3A_510, %get3A_511] : memref<1x1x8192xf32, #tpu.memory_space<vmem>>, vector<1x1x512xf32>
    %get3A_513 = vector.shape_cast %get3A_512 : vector<1x1x512xf32> to vector<512xf32>
    %broadcast_in_dim3A_514 = vector.shape_cast %get3A_513 : vector<512xf32> to vector<1x512xf32>
    %add3A_515 = vector.broadcast %broadcast_in_dim3A : vector<1536x1xf32> to vector<1536x512xf32>
    %add3A_516 = vector.broadcast %broadcast_in_dim3A_514 : vector<1x512xf32> to vector<1536x512xf32>
    %add3A_517 = arith.addf %add3A_515, %add3A_516 : vector<1536x512xf32>
    %add3A_518 = arith.addf %add3A_517, %dot_general3A_508 : vector<1536x512xf32>
    %max3A_519 = arith.constant 0.000000e+00 : f32
    %max3A_520 = vector.broadcast %max3A_519 : f32 to vector<1536x512xf32>
    %max3A_521 = arith.maximumf %add3A_518, %max3A_520 : vector<1536x512xf32>
    %eq3A_522 = arith.constant 0.000000e+00 : f32
    %eq3A_523 = vector.broadcast %eq3A_522 : f32 to vector<1536x512xf32>
    %eq3A_524 = arith.cmpf oeq, %max3A_521, %eq3A_523 : vector<1536x512xf32>
    %rsqrt3A_525 = math.rsqrt %max3A_521 : vector<1536x512xf32>
    %mul3A_526 = arith.mulf %max3A_521, %rsqrt3A_525 : vector<1536x512xf32>
    %jit3A_527 = arith.constant 0.000000e+00 : f32
    %broadcast_in_dim3A_528 = vector.broadcast %jit3A_527 : f32 to vector<1536x512xf32>
    %select_n3A_529 = arith.select %eq3A_524, %broadcast_in_dim3A_528, %mul3A_526 : vector<1536x512xi1>, vector<1536x512xf32>
    %reduce_min3A_530 = arith.constant dense<0x7F800000> : vector<1536xf32>
    %reduce_min3A_531 = vector.multi_reduction <minimumf>, %select_n3A_529, %reduce_min3A_530 [1] : vector<1536x512xf32> to vector<1536xf32>
    %broadcast_in_dim3A_532 = vector.shape_cast %reduce_min3A_531 : vector<1536xf32> to vector<1536x1xf32>
    %eq3A_533 = vector.broadcast %broadcast_in_dim3A_532 : vector<1536x1xf32> to vector<1536x512xf32>
    %eq3A_534 = arith.cmpf oeq, %select_n3A_529, %eq3A_533 : vector<1536x512xf32>
    %jit3A_535 = arith.constant 0x7F800000 : f32
    %broadcast_in_dim3A_536 = vector.broadcast %jit3A_535 : f32 to vector<1536x512xf32>
    %select_n3A_537 = arith.select %eq3A_534, %convert_element_type3A_9, %broadcast_in_dim3A_536 : vector<1536x512xi1>, vector<1536x512xf32>
    %reduce_min3A_538 = arith.constant dense<0x7F800000> : vector<1536xf32>
    %reduce_min3A_539 = vector.multi_reduction <minimumf>, %select_n3A_537, %reduce_min3A_538 [1] : vector<1536x512xf32> to vector<1536xf32>
    %broadcast_in_dim3A_540 = vector.shape_cast %reduce_min3A_539 : vector<1536xf32> to vector<1536x1xf32>
    %lt3A_541 = arith.cmpf olt, %broadcast_in_dim3A_532, %select_n3A_497 : vector<1536x1xf32>
    %select_n3A_542 = arith.select %lt3A_541, %broadcast_in_dim3A_532, %select_n3A_497 : vector<1536x1xi1>, vector<1536x1xf32>
    %select_n3A_543 = arith.select %lt3A_541, %broadcast_in_dim3A_540, %select_n3A_498 : vector<1536x1xi1>, vector<1536x1xf32>
    %jit3A_544 = arith.constant 1.100000e+01 : f32
    %broadcast_in_dim3A_545 = vector.broadcast %jit3A_544 : f32 to vector<1536x1xf32>
    %select_n3A_546 = arith.select %lt3A_541, %broadcast_in_dim3A_545, %select_n3A_501 : vector<1536x1xi1>, vector<1536x1xf32>
    %get3A_547 = arith.constant 0 : index
    %get3A_548 = arith.constant 6144 : index
    %get3A_549 = arith.constant 0 : index
    %get3A_550 = vector.load %arg5[%get3A_547, %get3A_548, %get3A_549] : memref<1x8192x256xbf16, #tpu.memory_space<vmem>>, vector<1x512x256xbf16>
    %get3A_551 = vector.shape_cast %get3A_550 : vector<1x512x256xbf16> to vector<512x256xbf16>
    %dot_general3A_552 = arith.constant dense<0.000000e+00> : vector<1536x512xf32>
    %dot_general3A_553 = tpu.matmul %convert_element_type3A, %get3A_551, %dot_general3A_552 {dimension_numbers = #tpu.dot_dimension_numbers<[1], [1], [0], [0], [0, 0, 1, 0], [], []>, transpose_lhs_hint = false} : vector<1536x256xbf16>, vector<512x256xbf16>, vector<1536x512xf32> -> vector<1536x512xf32>
    %get3A_554 = arith.constant 0 : index
    %get3A_555 = arith.constant 0 : index
    %get3A_556 = arith.constant 6144 : index
    %get3A_557 = vector.load %arg3[%get3A_554, %get3A_555, %get3A_556] : memref<1x1x8192xf32, #tpu.memory_space<vmem>>, vector<1x1x512xf32>
    %get3A_558 = vector.shape_cast %get3A_557 : vector<1x1x512xf32> to vector<512xf32>
    %broadcast_in_dim3A_559 = vector.shape_cast %get3A_558 : vector<512xf32> to vector<1x512xf32>
    %add3A_560 = vector.broadcast %broadcast_in_dim3A : vector<1536x1xf32> to vector<1536x512xf32>
    %add3A_561 = vector.broadcast %broadcast_in_dim3A_559 : vector<1x512xf32> to vector<1536x512xf32>
    %add3A_562 = arith.addf %add3A_560, %add3A_561 : vector<1536x512xf32>
    %add3A_563 = arith.addf %add3A_562, %dot_general3A_553 : vector<1536x512xf32>
    %max3A_564 = arith.constant 0.000000e+00 : f32
    %max3A_565 = vector.broadcast %max3A_564 : f32 to vector<1536x512xf32>
    %max3A_566 = arith.maximumf %add3A_563, %max3A_565 : vector<1536x512xf32>
    %eq3A_567 = arith.constant 0.000000e+00 : f32
    %eq3A_568 = vector.broadcast %eq3A_567 : f32 to vector<1536x512xf32>
    %eq3A_569 = arith.cmpf oeq, %max3A_566, %eq3A_568 : vector<1536x512xf32>
    %rsqrt3A_570 = math.rsqrt %max3A_566 : vector<1536x512xf32>
    %mul3A_571 = arith.mulf %max3A_566, %rsqrt3A_570 : vector<1536x512xf32>
    %jit3A_572 = arith.constant 0.000000e+00 : f32
    %broadcast_in_dim3A_573 = vector.broadcast %jit3A_572 : f32 to vector<1536x512xf32>
    %select_n3A_574 = arith.select %eq3A_569, %broadcast_in_dim3A_573, %mul3A_571 : vector<1536x512xi1>, vector<1536x512xf32>
    %reduce_min3A_575 = arith.constant dense<0x7F800000> : vector<1536xf32>
    %reduce_min3A_576 = vector.multi_reduction <minimumf>, %select_n3A_574, %reduce_min3A_575 [1] : vector<1536x512xf32> to vector<1536xf32>
    %broadcast_in_dim3A_577 = vector.shape_cast %reduce_min3A_576 : vector<1536xf32> to vector<1536x1xf32>
    %eq3A_578 = vector.broadcast %broadcast_in_dim3A_577 : vector<1536x1xf32> to vector<1536x512xf32>
    %eq3A_579 = arith.cmpf oeq, %select_n3A_574, %eq3A_578 : vector<1536x512xf32>
    %jit3A_580 = arith.constant 0x7F800000 : f32
    %broadcast_in_dim3A_581 = vector.broadcast %jit3A_580 : f32 to vector<1536x512xf32>
    %select_n3A_582 = arith.select %eq3A_579, %convert_element_type3A_9, %broadcast_in_dim3A_581 : vector<1536x512xi1>, vector<1536x512xf32>
    %reduce_min3A_583 = arith.constant dense<0x7F800000> : vector<1536xf32>
    %reduce_min3A_584 = vector.multi_reduction <minimumf>, %select_n3A_582, %reduce_min3A_583 [1] : vector<1536x512xf32> to vector<1536xf32>
    %broadcast_in_dim3A_585 = vector.shape_cast %reduce_min3A_584 : vector<1536xf32> to vector<1536x1xf32>
    %lt3A_586 = arith.cmpf olt, %broadcast_in_dim3A_577, %select_n3A_542 : vector<1536x1xf32>
    %select_n3A_587 = arith.select %lt3A_586, %broadcast_in_dim3A_577, %select_n3A_542 : vector<1536x1xi1>, vector<1536x1xf32>
    %select_n3A_588 = arith.select %lt3A_586, %broadcast_in_dim3A_585, %select_n3A_543 : vector<1536x1xi1>, vector<1536x1xf32>
    %jit3A_589 = arith.constant 1.200000e+01 : f32
    %broadcast_in_dim3A_590 = vector.broadcast %jit3A_589 : f32 to vector<1536x1xf32>
    %select_n3A_591 = arith.select %lt3A_586, %broadcast_in_dim3A_590, %select_n3A_546 : vector<1536x1xi1>, vector<1536x1xf32>
    %get3A_592 = arith.constant 0 : index
    %get3A_593 = arith.constant 6656 : index
    %get3A_594 = arith.constant 0 : index
    %get3A_595 = vector.load %arg5[%get3A_592, %get3A_593, %get3A_594] : memref<1x8192x256xbf16, #tpu.memory_space<vmem>>, vector<1x512x256xbf16>
    %get3A_596 = vector.shape_cast %get3A_595 : vector<1x512x256xbf16> to vector<512x256xbf16>
    %dot_general3A_597 = arith.constant dense<0.000000e+00> : vector<1536x512xf32>
    %dot_general3A_598 = tpu.matmul %convert_element_type3A, %get3A_596, %dot_general3A_597 {dimension_numbers = #tpu.dot_dimension_numbers<[1], [1], [0], [0], [0, 0, 1, 0], [], []>, transpose_lhs_hint = false} : vector<1536x256xbf16>, vector<512x256xbf16>, vector<1536x512xf32> -> vector<1536x512xf32>
    %get3A_599 = arith.constant 0 : index
    %get3A_600 = arith.constant 0 : index
    %get3A_601 = arith.constant 6656 : index
    %get3A_602 = vector.load %arg3[%get3A_599, %get3A_600, %get3A_601] : memref<1x1x8192xf32, #tpu.memory_space<vmem>>, vector<1x1x512xf32>
    %get3A_603 = vector.shape_cast %get3A_602 : vector<1x1x512xf32> to vector<512xf32>
    %broadcast_in_dim3A_604 = vector.shape_cast %get3A_603 : vector<512xf32> to vector<1x512xf32>
    %add3A_605 = vector.broadcast %broadcast_in_dim3A : vector<1536x1xf32> to vector<1536x512xf32>
    %add3A_606 = vector.broadcast %broadcast_in_dim3A_604 : vector<1x512xf32> to vector<1536x512xf32>
    %add3A_607 = arith.addf %add3A_605, %add3A_606 : vector<1536x512xf32>
    %add3A_608 = arith.addf %add3A_607, %dot_general3A_598 : vector<1536x512xf32>
    %max3A_609 = arith.constant 0.000000e+00 : f32
    %max3A_610 = vector.broadcast %max3A_609 : f32 to vector<1536x512xf32>
    %max3A_611 = arith.maximumf %add3A_608, %max3A_610 : vector<1536x512xf32>
    %eq3A_612 = arith.constant 0.000000e+00 : f32
    %eq3A_613 = vector.broadcast %eq3A_612 : f32 to vector<1536x512xf32>
    %eq3A_614 = arith.cmpf oeq, %max3A_611, %eq3A_613 : vector<1536x512xf32>
    %rsqrt3A_615 = math.rsqrt %max3A_611 : vector<1536x512xf32>
    %mul3A_616 = arith.mulf %max3A_611, %rsqrt3A_615 : vector<1536x512xf32>
    %jit3A_617 = arith.constant 0.000000e+00 : f32
    %broadcast_in_dim3A_618 = vector.broadcast %jit3A_617 : f32 to vector<1536x512xf32>
    %select_n3A_619 = arith.select %eq3A_614, %broadcast_in_dim3A_618, %mul3A_616 : vector<1536x512xi1>, vector<1536x512xf32>
    %reduce_min3A_620 = arith.constant dense<0x7F800000> : vector<1536xf32>
    %reduce_min3A_621 = vector.multi_reduction <minimumf>, %select_n3A_619, %reduce_min3A_620 [1] : vector<1536x512xf32> to vector<1536xf32>
    %broadcast_in_dim3A_622 = vector.shape_cast %reduce_min3A_621 : vector<1536xf32> to vector<1536x1xf32>
    %eq3A_623 = vector.broadcast %broadcast_in_dim3A_622 : vector<1536x1xf32> to vector<1536x512xf32>
    %eq3A_624 = arith.cmpf oeq, %select_n3A_619, %eq3A_623 : vector<1536x512xf32>
    %jit3A_625 = arith.constant 0x7F800000 : f32
    %broadcast_in_dim3A_626 = vector.broadcast %jit3A_625 : f32 to vector<1536x512xf32>
    %select_n3A_627 = arith.select %eq3A_624, %convert_element_type3A_9, %broadcast_in_dim3A_626 : vector<1536x512xi1>, vector<1536x512xf32>
    %reduce_min3A_628 = arith.constant dense<0x7F800000> : vector<1536xf32>
    %reduce_min3A_629 = vector.multi_reduction <minimumf>, %select_n3A_627, %reduce_min3A_628 [1] : vector<1536x512xf32> to vector<1536xf32>
    %broadcast_in_dim3A_630 = vector.shape_cast %reduce_min3A_629 : vector<1536xf32> to vector<1536x1xf32>
    %lt3A_631 = arith.cmpf olt, %broadcast_in_dim3A_622, %select_n3A_587 : vector<1536x1xf32>
    %select_n3A_632 = arith.select %lt3A_631, %broadcast_in_dim3A_622, %select_n3A_587 : vector<1536x1xi1>, vector<1536x1xf32>
    %select_n3A_633 = arith.select %lt3A_631, %broadcast_in_dim3A_630, %select_n3A_588 : vector<1536x1xi1>, vector<1536x1xf32>
    %jit3A_634 = arith.constant 1.300000e+01 : f32
    %broadcast_in_dim3A_635 = vector.broadcast %jit3A_634 : f32 to vector<1536x1xf32>
    %select_n3A_636 = arith.select %lt3A_631, %broadcast_in_dim3A_635, %select_n3A_591 : vector<1536x1xi1>, vector<1536x1xf32>
    %get3A_637 = arith.constant 0 : index
    %get3A_638 = arith.constant 7168 : index
    %get3A_639 = arith.constant 0 : index
    %get3A_640 = vector.load %arg5[%get3A_637, %get3A_638, %get3A_639] : memref<1x8192x256xbf16, #tpu.memory_space<vmem>>, vector<1x512x256xbf16>
    %get3A_641 = vector.shape_cast %get3A_640 : vector<1x512x256xbf16> to vector<512x256xbf16>
    %dot_general3A_642 = arith.constant dense<0.000000e+00> : vector<1536x512xf32>
    %dot_general3A_643 = tpu.matmul %convert_element_type3A, %get3A_641, %dot_general3A_642 {dimension_numbers = #tpu.dot_dimension_numbers<[1], [1], [0], [0], [0, 0, 1, 0], [], []>, transpose_lhs_hint = false} : vector<1536x256xbf16>, vector<512x256xbf16>, vector<1536x512xf32> -> vector<1536x512xf32>
    %get3A_644 = arith.constant 0 : index
    %get3A_645 = arith.constant 0 : index
    %get3A_646 = arith.constant 7168 : index
    %get3A_647 = vector.load %arg3[%get3A_644, %get3A_645, %get3A_646] : memref<1x1x8192xf32, #tpu.memory_space<vmem>>, vector<1x1x512xf32>
    %get3A_648 = vector.shape_cast %get3A_647 : vector<1x1x512xf32> to vector<512xf32>
    %broadcast_in_dim3A_649 = vector.shape_cast %get3A_648 : vector<512xf32> to vector<1x512xf32>
    %add3A_650 = vector.broadcast %broadcast_in_dim3A : vector<1536x1xf32> to vector<1536x512xf32>
    %add3A_651 = vector.broadcast %broadcast_in_dim3A_649 : vector<1x512xf32> to vector<1536x512xf32>
    %add3A_652 = arith.addf %add3A_650, %add3A_651 : vector<1536x512xf32>
    %add3A_653 = arith.addf %add3A_652, %dot_general3A_643 : vector<1536x512xf32>
    %max3A_654 = arith.constant 0.000000e+00 : f32
    %max3A_655 = vector.broadcast %max3A_654 : f32 to vector<1536x512xf32>
    %max3A_656 = arith.maximumf %add3A_653, %max3A_655 : vector<1536x512xf32>
    %eq3A_657 = arith.constant 0.000000e+00 : f32
    %eq3A_658 = vector.broadcast %eq3A_657 : f32 to vector<1536x512xf32>
    %eq3A_659 = arith.cmpf oeq, %max3A_656, %eq3A_658 : vector<1536x512xf32>
    %rsqrt3A_660 = math.rsqrt %max3A_656 : vector<1536x512xf32>
    %mul3A_661 = arith.mulf %max3A_656, %rsqrt3A_660 : vector<1536x512xf32>
    %jit3A_662 = arith.constant 0.000000e+00 : f32
    %broadcast_in_dim3A_663 = vector.broadcast %jit3A_662 : f32 to vector<1536x512xf32>
    %select_n3A_664 = arith.select %eq3A_659, %broadcast_in_dim3A_663, %mul3A_661 : vector<1536x512xi1>, vector<1536x512xf32>
    %reduce_min3A_665 = arith.constant dense<0x7F800000> : vector<1536xf32>
    %reduce_min3A_666 = vector.multi_reduction <minimumf>, %select_n3A_664, %reduce_min3A_665 [1] : vector<1536x512xf32> to vector<1536xf32>
    %broadcast_in_dim3A_667 = vector.shape_cast %reduce_min3A_666 : vector<1536xf32> to vector<1536x1xf32>
    %eq3A_668 = vector.broadcast %broadcast_in_dim3A_667 : vector<1536x1xf32> to vector<1536x512xf32>
    %eq3A_669 = arith.cmpf oeq, %select_n3A_664, %eq3A_668 : vector<1536x512xf32>
    %jit3A_670 = arith.constant 0x7F800000 : f32
    %broadcast_in_dim3A_671 = vector.broadcast %jit3A_670 : f32 to vector<1536x512xf32>
    %select_n3A_672 = arith.select %eq3A_669, %convert_element_type3A_9, %broadcast_in_dim3A_671 : vector<1536x512xi1>, vector<1536x512xf32>
    %reduce_min3A_673 = arith.constant dense<0x7F800000> : vector<1536xf32>
    %reduce_min3A_674 = vector.multi_reduction <minimumf>, %select_n3A_672, %reduce_min3A_673 [1] : vector<1536x512xf32> to vector<1536xf32>
    %broadcast_in_dim3A_675 = vector.shape_cast %reduce_min3A_674 : vector<1536xf32> to vector<1536x1xf32>
    %lt3A_676 = arith.cmpf olt, %broadcast_in_dim3A_667, %select_n3A_632 : vector<1536x1xf32>
    %select_n3A_677 = arith.select %lt3A_676, %broadcast_in_dim3A_667, %select_n3A_632 : vector<1536x1xi1>, vector<1536x1xf32>
    %select_n3A_678 = arith.select %lt3A_676, %broadcast_in_dim3A_675, %select_n3A_633 : vector<1536x1xi1>, vector<1536x1xf32>
    %jit3A_679 = arith.constant 1.400000e+01 : f32
    %broadcast_in_dim3A_680 = vector.broadcast %jit3A_679 : f32 to vector<1536x1xf32>
    %select_n3A_681 = arith.select %lt3A_676, %broadcast_in_dim3A_680, %select_n3A_636 : vector<1536x1xi1>, vector<1536x1xf32>
    %get3A_682 = arith.constant 0 : index
    %get3A_683 = arith.constant 7680 : index
    %get3A_684 = arith.constant 0 : index
    %get3A_685 = vector.load %arg5[%get3A_682, %get3A_683, %get3A_684] : memref<1x8192x256xbf16, #tpu.memory_space<vmem>>, vector<1x512x256xbf16>
    %get3A_686 = vector.shape_cast %get3A_685 : vector<1x512x256xbf16> to vector<512x256xbf16>
    %dot_general3A_687 = arith.constant dense<0.000000e+00> : vector<1536x512xf32>
    %dot_general3A_688 = tpu.matmul %convert_element_type3A, %get3A_686, %dot_general3A_687 {dimension_numbers = #tpu.dot_dimension_numbers<[1], [1], [0], [0], [0, 0, 1, 0], [], []>, transpose_lhs_hint = false} : vector<1536x256xbf16>, vector<512x256xbf16>, vector<1536x512xf32> -> vector<1536x512xf32>
    %get3A_689 = arith.constant 0 : index
    %get3A_690 = arith.constant 0 : index
    %get3A_691 = arith.constant 7680 : index
    %get3A_692 = vector.load %arg3[%get3A_689, %get3A_690, %get3A_691] : memref<1x1x8192xf32, #tpu.memory_space<vmem>>, vector<1x1x512xf32>
    %get3A_693 = vector.shape_cast %get3A_692 : vector<1x1x512xf32> to vector<512xf32>
    %broadcast_in_dim3A_694 = vector.shape_cast %get3A_693 : vector<512xf32> to vector<1x512xf32>
    %add3A_695 = vector.broadcast %broadcast_in_dim3A : vector<1536x1xf32> to vector<1536x512xf32>
    %add3A_696 = vector.broadcast %broadcast_in_dim3A_694 : vector<1x512xf32> to vector<1536x512xf32>
    %add3A_697 = arith.addf %add3A_695, %add3A_696 : vector<1536x512xf32>
    %add3A_698 = arith.addf %add3A_697, %dot_general3A_688 : vector<1536x512xf32>
    %max3A_699 = arith.constant 0.000000e+00 : f32
    %max3A_700 = vector.broadcast %max3A_699 : f32 to vector<1536x512xf32>
    %max3A_701 = arith.maximumf %add3A_698, %max3A_700 : vector<1536x512xf32>
    %eq3A_702 = arith.constant 0.000000e+00 : f32
    %eq3A_703 = vector.broadcast %eq3A_702 : f32 to vector<1536x512xf32>
    %eq3A_704 = arith.cmpf oeq, %max3A_701, %eq3A_703 : vector<1536x512xf32>
    %rsqrt3A_705 = math.rsqrt %max3A_701 : vector<1536x512xf32>
    %mul3A_706 = arith.mulf %max3A_701, %rsqrt3A_705 : vector<1536x512xf32>
    %jit3A_707 = arith.constant 0.000000e+00 : f32
    %broadcast_in_dim3A_708 = vector.broadcast %jit3A_707 : f32 to vector<1536x512xf32>
    %select_n3A_709 = arith.select %eq3A_704, %broadcast_in_dim3A_708, %mul3A_706 : vector<1536x512xi1>, vector<1536x512xf32>
    %reduce_min3A_710 = arith.constant dense<0x7F800000> : vector<1536xf32>
    %reduce_min3A_711 = vector.multi_reduction <minimumf>, %select_n3A_709, %reduce_min3A_710 [1] : vector<1536x512xf32> to vector<1536xf32>
    %broadcast_in_dim3A_712 = vector.shape_cast %reduce_min3A_711 : vector<1536xf32> to vector<1536x1xf32>
    %eq3A_713 = vector.broadcast %broadcast_in_dim3A_712 : vector<1536x1xf32> to vector<1536x512xf32>
    %eq3A_714 = arith.cmpf oeq, %select_n3A_709, %eq3A_713 : vector<1536x512xf32>
    %jit3A_715 = arith.constant 0x7F800000 : f32
    %broadcast_in_dim3A_716 = vector.broadcast %jit3A_715 : f32 to vector<1536x512xf32>
    %select_n3A_717 = arith.select %eq3A_714, %convert_element_type3A_9, %broadcast_in_dim3A_716 : vector<1536x512xi1>, vector<1536x512xf32>
    %reduce_min3A_718 = arith.constant dense<0x7F800000> : vector<1536xf32>
    %reduce_min3A_719 = vector.multi_reduction <minimumf>, %select_n3A_717, %reduce_min3A_718 [1] : vector<1536x512xf32> to vector<1536xf32>
    %broadcast_in_dim3A_720 = vector.shape_cast %reduce_min3A_719 : vector<1536xf32> to vector<1536x1xf32>
    %lt3A_721 = arith.cmpf olt, %broadcast_in_dim3A_712, %select_n3A_677 : vector<1536x1xf32>
    %select_n3A_722 = arith.select %lt3A_721, %broadcast_in_dim3A_720, %select_n3A_678 : vector<1536x1xi1>, vector<1536x1xf32>
    %jit3A_723 = arith.constant 1.500000e+01 : f32
    %broadcast_in_dim3A_724 = vector.broadcast %jit3A_723 : f32 to vector<1536x1xf32>
    %select_n3A_725 = arith.select %lt3A_721, %broadcast_in_dim3A_724, %select_n3A_681 : vector<1536x1xi1>, vector<1536x1xf32>
    %mul3A_726 = arith.constant 5.120000e+02 : f32
    %mul3A_727 = vector.broadcast %mul3A_726 : f32 to vector<1536x1xf32>
    %mul3A_728 = arith.mulf %select_n3A_725, %mul3A_727 : vector<1536x1xf32>
    %add3A_729 = arith.addf %mul3A_728, %select_n3A_722 : vector<1536x1xf32>
    %squeeze3A = vector.shape_cast %add3A_729 : vector<1536x1xf32> to vector<1536xf32>
    %convert_element_type3A_730 = arith.fptosi %squeeze3A : vector<1536xf32> to vector<1536xi32>
    %swap3A = arith.constant 0 : index
    %swap3A_731 = arith.constant 0 : index
    %swap3A_732 = arith.constant 0 : index
    %swap3A_733 = vector.load %arg6[%swap3A, %swap3A_731, %swap3A_732] : memref<1x1x1536xi32, #tpu.memory_space<vmem>>, vector<1x1x1536xi32>
    %swap3A_734 = vector.shape_cast %swap3A_733 : vector<1x1x1536xi32> to vector<1536xi32>
    %swap3A_735 = vector.shape_cast %convert_element_type3A_730 : vector<1536xi32> to vector<1x1x1536xi32>
    tpu.vector_store %arg6[%swap3A, %swap3A_731, %swap3A_732], %swap3A_735 {strides = array<i32>} : memref<1x1x1536xi32, #tpu.memory_space<vmem>>, vector<1x1x1536xi32>,
    return
  }
  func.func @transform_0(%arg0: i32, %arg1: i32) -> (i32, i32, i32) {
    %mul3A = arith.constant 6 : i32
    %mul3A_0 = arith.muli %arg0, %mul3A : i32
    %add3A = arith.addi %mul3A_0, %arg1 : i32
    %c0_i32 = arith.constant 0 : i32
    %c0_i32_1 = arith.constant 0 : i32
    %c0_i32_2 = arith.constant 0 : i32
    return %add3A, %c0_i32, %c0_i32_1 : i32, i32, i32
  }
  func.func @transform_1(%arg0: i32, %arg1: i32) -> (i32, i32, i32) {
    %c0_i32 = arith.constant 0 : i32
    %c0_i32_0 = arith.constant 0 : i32
    %c0_i32_1 = arith.constant 0 : i32
    return %arg0, %c0_i32, %c0_i32_0 : i32, i32, i32
  }
  func.func @transform_2(%arg0: i32, %arg1: i32) -> (i32, i32) {
    %c0_i32 = arith.constant 0 : i32
    return %arg1, %arg0 : i32, i32
  }
  func.func @transform_3(%arg0: i32, %arg1: i32) -> (i32, i32, i32) {
    %c0_i32 = arith.constant 0 : i32
    %c0_i32_0 = arith.constant 0 : i32
    %c0_i32_1 = arith.constant 0 : i32
    return %arg0, %c0_i32, %c0_i32_0 : i32, i32, i32
  }
  func.func @transform_4(%arg0: i32, %arg1: i32) -> (i32, i32, i32) {
    %mul3A = arith.constant 6 : i32
    %mul3A_0 = arith.muli %arg0, %mul3A : i32
    %add3A = arith.addi %mul3A_0, %arg1 : i32
    %c0_i32 = arith.constant 0 : i32
    %c0_i32_1 = arith.constant 0 : i32
    %c0_i32_2 = arith.constant 0 : i32
    return %add3A, %c0_i32, %c0_i32_1 : i32, i32, i32
  }
}

</mosaic_0001>

<sc_bundles>
// kernel: kernel.4.cloned.1.call-start
scs
__scs_entry_jumppad:
0x0: {  	(pc) =	sbr.rel $0x88, $3  }
0x1: {  	(tag) =	ssettag $0x0;
	lr =	simm.s32 $0x1  }
0x2: {  	[smem:$0x3F9F] =	sst lr;
	_ =	strace $0xD0000000  }
0x3: {  	_ = 	snop  }
0x4: {  	_ = 	snop  }
0x5: {  	_ = 	snop  }
0x6: {  	_ = 	snop  }
0x7: {  	_ = 	snop  }
__scs_overlays_trampoline_lowered:
0x8: {  	[smem:$0x3FAE] =	sst s0  }
0x9: {  	[smem:$0x3FAF] =	sst s1  }
0xa: {  	[smem:$0x3FB0] =	sst s2  }
0xb: {  	[smem:$0x3FB1] =	sst s3  }
0xc: {  	[smem:$0x3FB2] =	sst s4  }
0xd: {  	[smem:$0x3FB3] =	sst s5  }
0xe: {  	[smem:$0x3FB4] =	sst s6  }
0xf: {  	[smem:$0x3FB5] =	sst s7  }
0x10: {  	[smem:$0x3FB6] =	sst s8  }
0x11: {  	[smem:$0x3FB7] =	sst s9;
	s0 =	simm.s32 @!p0 $0x0  }
0x12: {  	s1 =	sld [smem:$0x3F9D];
	s0 =	simm.s32 @p0 $0x1  }
0x13: {  	[smem:$0x3FB8] =	sst s0;
	s0 =	simm.s32 @!p1 $0x0  }
0x14: {  	s2 =	sld [smem:$0x3F9C];
	s0 =	simm.s32 @p1 $0x1  }
0x15: {  	[smem:$0x3FB9] =	sst s0;
	s0 =	simm.s32 @!p2 $0x0  }
0x16: {  	s3 =	sld [smem:$0x3FDB];
	s0 =	simm.s32 @p2 $0x1  }
0x17: {  	s4 =	simm.s32 $0x1BF5;
	[smem:$0x3FBB] =	sst s0  }
0x18: {  	s0 =	sld [smem:$0x3F9E];
	_ =	swait.ge [sflag:s4], $0x0  }
0x19: {  	s7 =	sld [smem:$0x3F9F]  }
0x1a: {  	s8 =	sadd.s32 $0xFFFFE003, lr  }
0x1b: {  	s9 =	sadd.s32 $0xFFFFFEF7, lr;
	s5 =	simm.s32 $0xFFFFFFFF;
	p2 =	slt.u32 s8, $0xFFFFF086  }
0x1c: {  	p1 =	slt.u32 s9, $0xF7A;
	s5 =	simm.s32 @!p2 $0x0  }
0x1d: {  	s5 =	simm.s32 @p1 $0x1;
	p0 =	seq.s32 s7, s2  }
0x1e: {  	s7 =	smul.u32 @!p0 $0xF7A, s2;
	p2 =	seq.s32 @!p0 s5, $0x0  }
0x1f: {  	s9 =	smul.u32 $0xF7A, s1;
	s8 =	simm.s32 @!p0 $0x1BF5;
	p2 =	por !p2, p0  }
0x20: {  	[sflag:s8] =	ssyncset.s32 @!p0 $0xFFFFF086;
	s6 =	sadd.s32 @!p0 s3, s7;
	s7 =	simm.s32 @!p0 $0x108  }
0x21: {  	s3 =	sadd.s32 s3, s9;
	s6 =	sadd.s32 @!p0 $0x88, s6;
	s7 =	simm.s32 @p2 $0x1082  }
0x22: {  	[simem:s7], [sflag:s8] =	dma.local @!p0 [hbm:s6], $0xF7A  }
0x23: {  	s9 =	sor.u32 $0xD0000000, s2;
	s6 =	simm.s32 $0x108;
	_ =	swait.ge @!p0 [sflag:s8], $0x0  }
0x24: {  	s3 =	sadd.s32 $0x88, s3;
	s6 =	simm.s32 @!p1 $0x1082;
	[sflag:s4] =	ssyncset.s32 $0xFFFFF086  }
0x25: {  	[simem:s6], [sflag:s4] =	dma.local [hbm:s3], $0xF7A  }
0x26: {  	[smem:$0x3F9F] =	sst s1;
	(tag) =	ssettag s2;
	_ =	strace s9  }
0x27: {  	s1 =	sld [smem:$0x3FAF]  }
0x28: {  	s2 =	sld [smem:$0x3FB0]  }
0x29: {  	s4 =	sld [smem:$0x3FB2]  }
0x2a: {  	p0 =	seq.s32 s5, $0x0;
	s5 =	sld [smem:$0x3FB3]  }
0x2b: {  	s6 =	sld [smem:$0x3FB4]  }
0x2c: {  	s7 =	sld [smem:$0x3FB5]  }
0x2d: {  	s3 =	simm.s32 $0x108;
	s8 =	sld [smem:$0x3FB6]  }
0x2e: {  	s3 =	simm.s32 @!p0 $0x1082;
	s9 =	sld [smem:$0x3FB7]  }
0x2f: {  	lr =	sadd.s32 s0, s3;
	s0 =	sld [smem:$0x3FAE]  }
0x30: {  	s3 =	sld [smem:$0x3FB1]  }
0x31: {  	[smem:$0x3FBA] =	sst s10  }
0x32: {  	s10 =	sld [smem:$0x3FB8];
	_ =	sdelay $0x3  }
0x33: {  	p0 =	seq.s32 s10, $0x1;
	s10 =	sld [smem:$0x3FBA];
	_ =	sdelay $0x3  }
0x34: {  	[smem:$0x3FBA] =	sst s10  }
0x35: {  	s10 =	sld [smem:$0x3FB9];
	_ =	sdelay $0x3  }
0x36: {  	p1 =	seq.s32 s10, $0x1;
	s10 =	sld [smem:$0x3FBA];
	_ =	sdelay $0x3  }
0x37: {  	[smem:$0x3FBA] =	sst s10  }
0x38: {  	s10 =	sld [smem:$0x3FBB]  }
0x39: {  	_ = 	snop;
	(pc) =	sbr.ind lr, $3  }
0x3a: {  	_ = 	snop  }
0x3b: {  	_ = 	snop  }
0x3c: {  	p2 =	seq.s32 s10, $0x1;
	s10 =	sld [smem:$0x3FBA]  }
0x3d: {  	_ =	shalt  }
0x3e: {  	_ =	shalt  }
0x3f: {  	_ =	shalt  }
0x40: {  	_ =	shalt  }
0x41: {  	_ =	shalt  }
0x42: {  	_ =	shalt  }
0x43: {  	_ =	shalt  }
0x44: {  	_ =	shalt  }
0x45: {  	_ =	shalt  }
0x46: {  	_ =	shalt  }
0x47: {  	_ =	shalt  }
0x48: {  	_ =	shalt  }
0x49: {  	_ =	shalt  }
0x4a: {  	_ =	shalt  }
0x4b: {  	_ =	shalt  }
0x4c: {  	_ =	shalt  }
0x4d: {  	_ =	shalt  }
0x4e: {  	_ =	shalt  }
0x4f: {  	_ =	shalt  }
0x50: {  	_ =	shalt  }
0x51: {  	_ =	shalt  }
0x52: {  	_ =	shalt  }
0x53: {  	_ =	shalt  }
0x54: {  	_ =	shalt  }
0x55: {  	_ =	shalt  }
0x56: {  	_ =	shalt  }
0x57: {  	_ =	shalt  }
0x58: {  	_ =	shalt  }
0x59: {  	_ =	shalt  }
0x5a: {  	_ =	shalt  }
0x5b: {  	_ =	shalt  }
0x5c: {  	_ =	shalt  }
0x5d: {  	_ =	shalt  }
0x5e: {  	_ =	shalt  }
0x5f: {  	_ =	shalt  }
0x60: {  	_ =	shalt  }
0x61: {  	_ =	shalt  }
0x62: {  	_ =	shalt  }
0x63: {  	_ =	shalt  }
0x64: {  	_ =	shalt  }
0x65: {  	_ =	shalt  }
0x66: {  	_ =	shalt  }
0x67: {  	_ =	shalt  }
0x68: {  	_ =	shalt  }
0x69: {  	_ =	shalt  }
0x6a: {  	_ =	shalt  }
0x6b: {  	_ =	shalt  }
0x6c: {  	_ =	shalt  }
0x6d: {  	_ =	shalt  }
0x6e: {  	_ =	shalt  }
0x6f: {  	_ =	shalt  }
0x70: {  	_ =	shalt  }
0x71: {  	_ =	shalt  }
0x72: {  	_ =	shalt  }
0x73: {  	_ =	shalt  }
0x74: {  	_ =	shalt  }
0x75: {  	_ =	shalt  }
0x76: {  	_ =	shalt  }
0x77: {  	_ =	shalt  }
0x78: {  	_ =	shalt  }
0x79: {  	_ =	shalt  }
0x7a: {  	_ =	shalt  }
0x7b: {  	_ =	shalt  }
0x7c: {  	_ =	shalt  }
0x7d: {  	_ =	shalt  }
0x7e: {  	_ =	shalt  }
0x7f: {  	_ =	shalt  }
0x80: {  	_ =	shalt  }
0x81: {  	_ =	shalt  }
0x82: {  	_ =	shalt  }
0x83: {  	_ =	shalt  }
0x84: {  	_ =	shalt  }
0x85: {  	_ =	shalt  }
0x86: {  	_ =	shalt  }
0x87: {  	_ =	shalt  }
.Lfunc_end0:
.L_simem_size_0:
called_computation_lowered:
.L_overlay_start_0:
0x88: {  	s2 =	sld [smem:$0x3FD9]  }
0x89: {  	s3 =	sld [smem:$0x3FFE];
	_ =	sdelay $0x1  }
0x8a: {  	s1 =	srdreg.scid  }
0x8b: {  	s0 =	sand.u32 $0x1, s1  }
0x8c: {  	s14 =	sshll.u32 s0, $0xA;
	s2 =	sadd.s32 s3, s2  }
0x8d: {  	s2 =	sadd.s32 s2, s14  }
0x8e: {  	[smem:$0x3FC6] =	sst s2  }
0x8f: {  	_ = 	snop  }
0x90: {  	s2 =	sld [smem:$0x3FD0];
	_ =	sdelay $0x2  }
0x91: {  	s4 =	simm.s32 $0xA;
	s5 =	simm.s32 $0x10;
	s15 =	sld [smem:$0x3FC8]  }
0x92: {  	[smem:s5], [sflag:s4] =	dma.local [hbm:s2], $0x1  }
0x93: {  	_ =	swait.eq [sflag:s4], $0x1  }
0x94: {  	[sflag:s4] =	ssyncset.done $0x0  }
0x95: {  	[sflag:s4] =	ssyncadd.s32 $0xFFFFFFFF  }
0x96: {  	s16 =	sld [smem:$0x10];
	(tm) =	ssettm $0x1  }
0x97: {  	s17 =	sld [smem:$0x3FFB];
	_ =	sdelay $0x3  }
0x98: {  	_ =	strace s17  }
0x99: {  	s4 =	sld [smem:$0x3FFC];
	_ =	sdelay $0x3  }
0x9a: {  	_ =	strace s4  }
0x9b: {  	s4 =	sld [smem:$0x3FFD];
	_ =	sdelay $0x3  }
0x9c: {  	_ =	strace s4  }
0x9d: {  	_ =	strace $0x8FFFFFFF  }
0x9e: {  	s18 =	sld [smem:$0x3FDB];
	_ =	sdelay $0x1  }
0x9f: {  	s19 =	simm.s32 $_scs_section_size  }
0xa0: {  	s6 =	simm.s32 $_size__tile_overlayer_lowered;
	s7 =	simm.s32 $_tile_overlayer_lowered  }
0xa1: {  	s22 =	simm.s32 $0x1BFF;
	s21 =	sshll.u32 s7, $0x1;
	s4 =	sadd.s32 s19, s18  }
0xa2: {  	s8 =	simm.s32 $0x0;
	s20 =	sshll.u32 s6, $0x1;
	s6 =	sadd.s32 s21, s4  }
0xa3: {  	[timem:s8], [sflag:s22] =	dma.local [hbm:s6], s20  }
0xa4: {  	_ =	swait.ge [sflag:s22], s20  }
0xa5: {  	s5 =	ssub.s32 $0x0, s20;
	[sflag:s22] =	ssyncset.done $0x0  }
0xa6: {  	[sflag:s22] =	ssyncadd.s32 s5;
	_ =	sdelay $0x1  }
0xa7: {  	s23 =	simm.s32 $0x1B8B  }
0xa8: {  	_ =	swait.ge [sflag:s23], $0x1  }
0xa9: {  	[sflag:s23] =	ssyncset.done $0x0  }
0xaa: {  	s25 =	simm.s32 $0x1B8E;
	s24 =	sld [smem:$0x3FFE];
	[sflag:s23] =	ssyncadd.s32 $0xFFFFFFFF  }
0xab: {  	s26 =	simm.s32 $execute0_lowered;
	[smem:$0x3FD2] =	sst s25  }
0xac: {  	s6 =	sshll.u32 s26, $0x1;
	_ =	strace $0x80000046;
	[dreg:$0x1] =	wrdreg $0xFFFFFFFF  }
0xad: {  	s28 =	simm.s32 $_size_execute0_lowered;
	s4 =	sadd.s32 s4, s6;
	[dreg:$0x0] =	wrdreg $0x0  }
0xae: {  	s6 =	sshll.u32 s28, $0x1;
	[dreg:$0x2] =	wrdreg s4  }
0xaf: {  	[dreg:$0x3] =	wrdreg s6  }
0xb0: {  	[dreg:$0x4] =	wrdreg $0xC0  }
0xb1: {  	_ =	task [dreg:s8], $0x5FFFF  }
0xb2: {  	[dreg:$0x1] =	wrdreg $0xFFFFFFFF  }
0xb3: {  	[dreg:$0x0] =	wrdreg $0x60  }
0xb4: {  	[dreg:$0x2] =	wrdreg s15  }
0xb5: {  	[dreg:$0x3] =	wrdreg s16  }
0xb6: {  	[dreg:$0x4] =	wrdreg s24  }
0xb7: {  	[dreg:$0x5] =	wrdreg $0x9  }
0xb8: {  	_ =	task.clear_ibuf [dreg:s8], $0x6FFFF;
	_ =	strace $0x90000046  }
0xb9: {  	s29 =	simm.s32 $0x9;
	_ =	strace $0x80000048  }
0xba: {  	_ =	swait.ge [sflag:s29], $0x1  }
0xbb: {  	[sflag:s29] =	ssyncadd.s32 $0xFFFFFFFF  }
0xbc: {  	_ =	strace $0x90000048  }
0xbd: {  	_ =	sfence  }
0xbe: {  	s30 =	sld [smem:$0x0];
	_ =	sdelay $0x2  }
0xbf: {  	s31 =	sshll.u32 s1, $0xD;
	s1 =	sshrl.u32 s1, $0x2  }
0xc0: {  	s3 =	sand.u32 $0x4000, s31;
	s1 =	sadd.s32 s1, s30  }
0xc1: {  	s0 =	sor.u32 s3, s0;
	s1 =	sshll.u32 s1, $0x11  }
0xc2: {  	s0 =	sor.u32 s1, s0  }
0xc3: {  	s0 =	sadd.s32 $0x8F2B, s0  }
0xc4: {  	[sflag:s0] =	ssyncadd.remote.s32 $0x1  }
0xc5: {  	_ =	sfence.sel $0xFFFF  }
0xc6: {  	[dreg:$0x0] =	wrdreg $0xFFFFFFFF;
	(pc) =	sbr.abs _section_cstart, $3  }
0xc7: {  	[dreg:$0x1] =	wrdreg $0xFFFFFFFF  }
0xc8: {  	_ =	task.clear_ibuf [dreg:s8], $0x2FFFF;
	_ =	strace $0x9FFFFFFF  }
0xc9: {  	(tm) =	ssettm $0x7FFFFFFF  }
tec
execute0_lowered:
.L_overlay_start_1:
0x0: {  	(tag) =	ssettag $0x1  }
0x1: {  	s0 =	srdreg.scid;
	s2 =	stileid.u32  }
0x2: {  	s1 =	rddreg [dreg:$0x0];
	s0 =	sand.u32 $0x1, s0;
	s2 =	sshll.u32 s2, $0x1  }
0x3: {  	s4 =	rddreg [dreg:$0x1];
	s2 =	sor.u32 s0, s2  }
0x4: {  	s5 =	rddreg [dreg:$0x2];
	s6 =	smul.u32 $0x90, s2  }
0x5: {  	s3 =	simm.s32 $0x0;
	s22 =	simm.s32 $0x480;
	s7 =	smul.u32 $0x48000, s2  }
0x6: {  	s16 =	simm.s32 $0x1;
	[smem:$0x7FF] =	sst s3;
	s2 =	smul.u32 $0x9000, s2  }
0x7: {  	_ =	strace $0x80000047;
	s4 =	sadd.s32 s4, s6;
	s25 =	sshrl.u32 s7, $0x3  }
0x8: {  	s2 =	sadd.s32 s5, s2;
	[dreg:$0x4] =	wrdreg s4;
	s26 =	sadd.s32 s5, s25  }
0x9: {  	s0 =	ssub.s32 $0x2, s0;
	[dreg:$0x5] =	wrdreg s2;
	s28 =	sadd.s32 $0x2400, s26  }
0xa: {  	v2 =	vlaneseq.u32;
	s30 =	sshrl.u32 s0, $0x1;
	s29 =	sadd.s32 $0x4800, s26;
	[dreg:$0x6] =	wrdreg s28  }
0xb: {  	vm0 =	vmmov $0xffff;
	v1 =	vshrl.u32 v2, $0x3;
	s0 =	ssub.s32 s0, s30;
	s31 =	sadd.s32 $0x6C00, s26;
	[dreg:$0x7] =	wrdreg s29  }
0xc: {  	v0 =	vand.u32 $0x7, v2;
	v2 =	vor.u32 $0x8, v2;
	v1 =	vmul.u32 $0x8, v1;
	s4 =	smax.u32 s0, $0x1;
	s5 =	simm.s32 $0x2;
	[dreg:$0x8] =	wrdreg s31  }
.LBB2_1:
0xd: {  	s17 =	rddreg [dreg:$0x4]  }
0xe: {  	[tilespmem:s3], [sflag:$0x2] =	stream.linear.gather [hbm4b:s17+s3], $0x480, $0x38;
	[tilespmem:$0x12480] =	vst v63  }
0xf: {  	_ =	swait.ge [sflag:s5], $0x480  }
0x10: {  	[sflag:s5] =	ssyncset.done $0x0  }
0x11: {  	[sflag:s5] =	ssyncadd.s32 $0xFFFFFB80  }
0x12: {  	v3 =	vld [tilespmem:$0x0];
	_ =	sdelay $0x4  }
0x13: {  	v4 =	vshll.u32 v3, $0x1  }
0x14: {  	v3 =	vand.u32 $0x7, v3;
	v4 =	vand.u32 $0xFFFFFFF0, v4  }
0x15: {  	v3 =	vor.u32 v3, v4  }
0x16: {  	v4 =	vperm.xlane v3, v0;
	_ =	sdelay $0x1  }
0x17: {  	v3 =	vperm.xlane v3, v2;
	v4 =	vadd.s32 v1, v4;
	_ =	sdelay $0x1  }
0x18: {  	v3 =	vadd.s32 v1, v3;
	_ =	sdelay $0x2  }
0x19: {  	[tilespmem:s22], [sflag:$0x1] =	stream.indirect_vreg.gather [hbm4b:s1+s3], $0x80, v4, vm0, $0xb8;
	[tilespmem:$0x12480] =	vst v63  }
0x1a: {  	s0 =	simm.s32 $0xC80  }
0x1b: {  	[tilespmem:s0], [sflag:$0x1] =	stream.indirect_vreg.gather [hbm4b:s1+s3], $0x80, v3, vm0, $0xb8;
	[tilespmem:$0x12480] =	vst v63  }
0x1c: {  	v3 =	vld [tilespmem:$0x10];
	_ =	sdelay $0x4  }
0x1d: {  	v49 =	vshll.u32 v3, $0x1  }
0x1e: {  	v3 =	vand.u32 $0x7, v3;
	v4 =	vand.u32 $0xFFFFFFF0, v49  }
0x1f: {  	v3 =	vor.u32 v3, v4  }
0x20: {  	v4 =	vperm.xlane v3, v0;
	_ =	sdelay $0x1  }
0x21: {  	v3 =	vperm.xlane v3, v2;
	v4 =	vadd.s32 v1, v4;
	_ =	sdelay $0x1  }
0x22: {  	v3 =	vadd.s32 v1, v3;
	_ =	sdelay $0x1  }
0x23: {  	s11 =	simm.s32 $0x1480  }
0x24: {  	[tilespmem:s11], [sflag:$0x1] =	stream.indirect_vreg.gather [hbm4b:s1+s3], $0x80, v4, vm0, $0xb8;
	[tilespmem:$0x12480] =	vst v63  }
0x25: {  	s12 =	simm.s32 $0x1C80  }
0x26: {  	[tilespmem:s12], [sflag:$0x1] =	stream.indirect_vreg.gather [hbm4b:s1+s3], $0x80, v3, vm0, $0xb8;
	[tilespmem:$0x12480] =	vst v63  }
0x27: {  	v3 =	vld [tilespmem:$0x20];
	_ =	sdelay $0x4  }
0x28: {  	v50 =	vshll.u32 v3, $0x1  }
0x29: {  	v3 =	vand.u32 $0x7, v3;
	v4 =	vand.u32 $0xFFFFFFF0, v50  }
0x2a: {  	v3 =	vor.u32 v3, v4  }
0x2b: {  	v4 =	vperm.xlane v3, v0;
	_ =	sdelay $0x1  }
0x2c: {  	v3 =	vperm.xlane v3, v2;
	v4 =	vadd.s32 v1, v4;
	_ =	sdelay $0x1  }
0x2d: {  	v3 =	vadd.s32 v1, v3;
	_ =	sdelay $0x1  }
0x2e: {  	s13 =	simm.s32 $0x2480  }
0x2f: {  	[tilespmem:s13], [sflag:$0x1] =	stream.indirect_vreg.gather [hbm4b:s1+s3], $0x80, v4, vm0, $0xb8;
	[tilespmem:$0x12480] =	vst v63  }
0x30: {  	s14 =	simm.s32 $0x2C80  }
0x31: {  	[tilespmem:s14], [sflag:$0x1] =	stream.indirect_vreg.gather [hbm4b:s1+s3], $0x80, v3, vm0, $0xb8;
	[tilespmem:$0x12480] =	vst v63  }
0x32: {  	v3 =	vld [tilespmem:$0x30];
	_ =	sdelay $0x4  }
0x33: {  	v51 =	vshll.u32 v3, $0x1  }
0x34: {  	v3 =	vand.u32 $0x7, v3;
	v4 =	vand.u32 $0xFFFFFFF0, v51  }
0x35: {  	v3 =	vor.u32 v3, v4  }
0x36: {  	v4 =	vperm.xlane v3, v0;
	_ =	sdelay $0x1  }
0x37: {  	v3 =	vperm.xlane v3, v2;
	v4 =	vadd.s32 v1, v4;
	_ =	sdelay $0x1  }
0x38: {  	v3 =	vadd.s32 v1, v3;
	_ =	sdelay $0x1  }
0x39: {  	s15 =	simm.s32 $0x3480  }
0x3a: {  	[tilespmem:s15], [sflag:$0x1] =	stream.indirect_vreg.gather [hbm4b:s1+s3], $0x80, v4, vm0, $0xb8;
	[tilespmem:$0x12480] =	vst v63  }
0x3b: {  	s17 =	simm.s32 $0x3C80  }
0x3c: {  	[tilespmem:s17], [sflag:$0x1] =	stream.indirect_vreg.gather [hbm4b:s1+s3], $0x80, v3, vm0, $0xb8;
	[tilespmem:$0x12480] =	vst v63  }
0x3d: {  	v3 =	vld [tilespmem:$0x40];
	_ =	sdelay $0x4  }
0x3e: {  	v52 =	vshll.u32 v3, $0x1  }
0x3f: {  	v3 =	vand.u32 $0x7, v3;
	v4 =	vand.u32 $0xFFFFFFF0, v52  }
0x40: {  	v3 =	vor.u32 v3, v4  }
0x41: {  	v4 =	vperm.xlane v3, v0;
	_ =	sdelay $0x1  }
0x42: {  	v3 =	vperm.xlane v3, v2;
	v4 =	vadd.s32 v1, v4;
	_ =	sdelay $0x1  }
0x43: {  	v3 =	vadd.s32 v1, v3;
	_ =	sdelay $0x1  }
0x44: {  	s18 =	simm.s32 $0x4480  }
0x45: {  	[tilespmem:s18], [sflag:$0x1] =	stream.indirect_vreg.gather [hbm4b:s1+s3], $0x80, v4, vm0, $0xb8;
	[tilespmem:$0x12480] =	vst v63  }
0x46: {  	s19 =	simm.s32 $0x4C80  }
0x47: {  	[tilespmem:s19], [sflag:$0x1] =	stream.indirect_vreg.gather [hbm4b:s1+s3], $0x80, v3, vm0, $0xb8;
	[tilespmem:$0x12480] =	vst v63  }
0x48: {  	v3 =	vld [tilespmem:$0x50];
	_ =	sdelay $0x4  }
0x49: {  	v53 =	vshll.u32 v3, $0x1  }
0x4a: {  	v3 =	vand.u32 $0x7, v3;
	v4 =	vand.u32 $0xFFFFFFF0, v53  }
0x4b: {  	v3 =	vor.u32 v3, v4  }
0x4c: {  	v4 =	vperm.xlane v3, v0;
	_ =	sdelay $0x1  }
0x4d: {  	v3 =	vperm.xlane v3, v2;
	v4 =	vadd.s32 v1, v4;
	_ =	sdelay $0x1  }
0x4e: {  	v3 =	vadd.s32 v1, v3;
	_ =	sdelay $0x1  }
0x4f: {  	s20 =	simm.s32 $0x5480  }
0x50: {  	[tilespmem:s20], [sflag:$0x1] =	stream.indirect_vreg.gather [hbm4b:s1+s3], $0x80, v4, vm0, $0xb8;
	[tilespmem:$0x12480] =	vst v63  }
0x51: {  	s21 =	simm.s32 $0x5C80  }
0x52: {  	[tilespmem:s21], [sflag:$0x1] =	stream.indirect_vreg.gather [hbm4b:s1+s3], $0x80, v3, vm0, $0xb8;
	[tilespmem:$0x12480] =	vst v63  }
0x53: {  	v3 =	vld [tilespmem:$0x60];
	_ =	sdelay $0x4  }
0x54: {  	v54 =	vshll.u32 v3, $0x1  }
0x55: {  	v3 =	vand.u32 $0x7, v3;
	v4 =	vand.u32 $0xFFFFFFF0, v54  }
0x56: {  	v3 =	vor.u32 v3, v4  }
0x57: {  	v4 =	vperm.xlane v3, v0;
	_ =	sdelay $0x1  }
0x58: {  	v3 =	vperm.xlane v3, v2;
	v4 =	vadd.s32 v1, v4;
	_ =	sdelay $0x1  }
0x59: {  	v3 =	vadd.s32 v1, v3;
	_ =	sdelay $0x1  }
0x5a: {  	s23 =	simm.s32 $0x6480  }
0x5b: {  	[tilespmem:s23], [sflag:$0x1] =	stream.indirect_vreg.gather [hbm4b:s1+s3], $0x80, v4, vm0, $0xb8;
	[tilespmem:$0x12480] =	vst v63  }
0x5c: {  	s24 =	simm.s32 $0x6C80  }
0x5d: {  	[tilespmem:s24], [sflag:$0x1] =	stream.indirect_vreg.gather [hbm4b:s1+s3], $0x80, v3, vm0, $0xb8;
	[tilespmem:$0x12480] =	vst v63  }
0x5e: {  	v3 =	vld [tilespmem:$0x70];
	_ =	sdelay $0x4  }
0x5f: {  	v55 =	vshll.u32 v3, $0x1  }
0x60: {  	v3 =	vand.u32 $0x7, v3;
	v4 =	vand.u32 $0xFFFFFFF0, v55  }
0x61: {  	v3 =	vor.u32 v3, v4  }
0x62: {  	v4 =	vperm.xlane v3, v0;
	_ =	sdelay $0x1  }
0x63: {  	v3 =	vperm.xlane v3, v2;
	v4 =	vadd.s32 v1, v4;
	_ =	sdelay $0x1  }
0x64: {  	v3 =	vadd.s32 v1, v3;
	_ =	sdelay $0x1  }
0x65: {  	s25 =	simm.s32 $0x7480  }
0x66: {  	[tilespmem:s25], [sflag:$0x1] =	stream.indirect_vreg.gather [hbm4b:s1+s3], $0x80, v4, vm0, $0xb8;
	[tilespmem:$0x12480] =	vst v63  }
0x67: {  	s26 =	simm.s32 $0x7C80  }
0x68: {  	[tilespmem:s26], [sflag:$0x1] =	stream.indirect_vreg.gather [hbm4b:s1+s3], $0x80, v3, vm0, $0xb8;
	[tilespmem:$0x12480] =	vst v63  }
0x69: {  	v3 =	vld [tilespmem:$0x80];
	_ =	sdelay $0x4  }
0x6a: {  	v56 =	vshll.u32 v3, $0x1  }
0x6b: {  	v3 =	vand.u32 $0x7, v3;
	v4 =	vand.u32 $0xFFFFFFF0, v56  }
0x6c: {  	v3 =	vor.u32 v3, v4  }
0x6d: {  	v4 =	vperm.xlane v3, v0;
	_ =	sdelay $0x1  }
0x6e: {  	v3 =	vperm.xlane v3, v2;
	v4 =	vadd.s32 v1, v4;
	_ =	sdelay $0x1  }
0x6f: {  	v3 =	vadd.s32 v1, v3;
	_ =	sdelay $0x1  }
0x70: {  	s28 =	simm.s32 $0x8480  }
0x71: {  	[tilespmem:s28], [sflag:$0x1] =	stream.indirect_vreg.gather [hbm4b:s1+s3], $0x80, v4, vm0, $0xb8;
	[tilespmem:$0x12480] =	vst v63  }
0x72: {  	s29 =	simm.s32 $0x8C80  }
0x73: {  	[tilespmem:s29], [sflag:$0x1] =	stream.indirect_vreg.gather [hbm4b:s1+s3], $0x80, v3, vm0, $0xb8;
	[tilespmem:$0x12480] =	vst v63  }
0x74: {  	v3 =	vld [tilespmem:$0x90];
	_ =	sdelay $0x4  }
0x75: {  	v57 =	vshll.u32 v3, $0x1  }
0x76: {  	v3 =	vand.u32 $0x7, v3;
	v4 =	vand.u32 $0xFFFFFFF0, v57  }
0x77: {  	v3 =	vor.u32 v3, v4  }
0x78: {  	v4 =	vperm.xlane v3, v0;
	_ =	sdelay $0x1  }
0x79: {  	v3 =	vperm.xlane v3, v2;
	v4 =	vadd.s32 v1, v4;
	_ =	sdelay $0x1  }
0x7a: {  	v3 =	vadd.s32 v1, v3;
	_ =	sdelay $0x1  }
0x7b: {  	s30 =	simm.s32 $0x9480  }
0x7c: {  	[tilespmem:s30], [sflag:$0x1] =	stream.indirect_vreg.gather [hbm4b:s1+s3], $0x80, v4, vm0, $0xb8;
	[tilespmem:$0x12480] =	vst v63  }
0x7d: {  	s31 =	simm.s32 $0x9C80  }
0x7e: {  	[tilespmem:s31], [sflag:$0x1] =	stream.indirect_vreg.gather [hbm4b:s1+s3], $0x80, v3, vm0, $0xb8;
	[tilespmem:$0x12480] =	vst v63  }
0x7f: {  	v3 =	vld [tilespmem:$0xA0];
	_ =	sdelay $0x4  }
0x80: {  	v58 =	vshll.u32 v3, $0x1  }
0x81: {  	v3 =	vand.u32 $0x7, v3;
	v4 =	vand.u32 $0xFFFFFFF0, v58  }
0x82: {  	v3 =	vor.u32 v3, v4  }
0x83: {  	v4 =	vperm.xlane v3, v0;
	_ =	sdelay $0x1  }
0x84: {  	v3 =	vperm.xlane v3, v2;
	v4 =	vadd.s32 v1, v4;
	_ =	sdelay $0x1  }
0x85: {  	v3 =	vadd.s32 v1, v3;
	_ =	sdelay $0x1  }
0x86: {  	s12 =	simm.s32 $0xA480  }
0x87: {  	[tilespmem:s12], [sflag:$0x1] =	stream.indirect_vreg.gather [hbm4b:s1+s3], $0x80, v4, vm0, $0xb8;
	[tilespmem:$0x12480] =	vst v63  }
0x88: {  	s14 =	simm.s32 $0xAC80  }
0x89: {  	[tilespmem:s14], [sflag:$0x1] =	stream.indirect_vreg.gather [hbm4b:s1+s3], $0x80, v3, vm0, $0xb8;
	[tilespmem:$0x12480] =	vst v63  }
0x8a: {  	v3 =	vld [tilespmem:$0xB0];
	_ =	sdelay $0x4  }
0x8b: {  	v59 =	vshll.u32 v3, $0x1  }
0x8c: {  	v3 =	vand.u32 $0x7, v3;
	v4 =	vand.u32 $0xFFFFFFF0, v59  }
0x8d: {  	v3 =	vor.u32 v3, v4  }
0x8e: {  	v4 =	vperm.xlane v3, v0;
	_ =	sdelay $0x1  }
0x8f: {  	v3 =	vperm.xlane v3, v2;
	v4 =	vadd.s32 v1, v4;
	_ =	sdelay $0x1  }
0x90: {  	v3 =	vadd.s32 v1, v3;
	_ =	sdelay $0x1  }
0x91: {  	s15 =	simm.s32 $0xB480  }
0x92: {  	[tilespmem:s15], [sflag:$0x1] =	stream.indirect_vreg.gather [hbm4b:s1+s3], $0x80, v4, vm0, $0xb8;
	[tilespmem:$0x12480] =	vst v63  }
0x93: {  	s17 =	simm.s32 $0xBC80  }
0x94: {  	[tilespmem:s17], [sflag:$0x1] =	stream.indirect_vreg.gather [hbm4b:s1+s3], $0x80, v3, vm0, $0xb8;
	[tilespmem:$0x12480] =	vst v63  }
0x95: {  	v3 =	vld [tilespmem:$0xC0];
	_ =	sdelay $0x4  }
0x96: {  	v60 =	vshll.u32 v3, $0x1  }
0x97: {  	v3 =	vand.u32 $0x7, v3;
	v4 =	vand.u32 $0xFFFFFFF0, v60  }
0x98: {  	v3 =	vor.u32 v3, v4  }
0x99: {  	v4 =	vperm.xlane v3, v0;
	_ =	sdelay $0x1  }
0x9a: {  	v3 =	vperm.xlane v3, v2;
	v4 =	vadd.s32 v1, v4;
	_ =	sdelay $0x1  }
0x9b: {  	v3 =	vadd.s32 v1, v3;
	_ =	sdelay $0x1  }
0x9c: {  	s18 =	simm.s32 $0xC480  }
0x9d: {  	[tilespmem:s18], [sflag:$0x1] =	stream.indirect_vreg.gather [hbm4b:s1+s3], $0x80, v4, vm0, $0xb8;
	[tilespmem:$0x12480] =	vst v63  }
0x9e: {  	s19 =	simm.s32 $0xCC80  }
0x9f: {  	[tilespmem:s19], [sflag:$0x1] =	stream.indirect_vreg.gather [hbm4b:s1+s3], $0x80, v3, vm0, $0xb8;
	[tilespmem:$0x12480] =	vst v63  }
0xa0: {  	v3 =	vld [tilespmem:$0xD0];
	_ =	sdelay $0x4  }
0xa1: {  	v61 =	vshll.u32 v3, $0x1  }
0xa2: {  	v3 =	vand.u32 $0x7, v3;
	v4 =	vand.u32 $0xFFFFFFF0, v61  }
0xa3: {  	v3 =	vor.u32 v3, v4  }
0xa4: {  	v4 =	vperm.xlane v3, v0;
	_ =	sdelay $0x1  }
0xa5: {  	v3 =	vperm.xlane v3, v2;
	v4 =	vadd.s32 v1, v4;
	_ =	sdelay $0x1  }
0xa6: {  	v3 =	vadd.s32 v1, v3;
	_ =	sdelay $0x1  }
0xa7: {  	s20 =	simm.s32 $0xD480  }
0xa8: {  	[tilespmem:s20], [sflag:$0x1] =	stream.indirect_vreg.gather [hbm4b:s1+s3], $0x80, v4, vm0, $0xb8;
	[tilespmem:$0x12480] =	vst v63  }
0xa9: {  	s21 =	simm.s32 $0xDC80  }
0xaa: {  	[tilespmem:s21], [sflag:$0x1] =	stream.indirect_vreg.gather [hbm4b:s1+s3], $0x80, v3, vm0, $0xb8;
	[tilespmem:$0x12480] =	vst v63  }
0xab: {  	v3 =	vld [tilespmem:$0xE0];
	_ =	sdelay $0x4  }
0xac: {  	v62 =	vshll.u32 v3, $0x1  }
0xad: {  	v3 =	vand.u32 $0x7, v3;
	v4 =	vand.u32 $0xFFFFFFF0, v62  }
0xae: {  	v3 =	vor.u32 v3, v4  }
0xaf: {  	v4 =	vperm.xlane v3, v0;
	_ =	sdelay $0x1  }
0xb0: {  	v3 =	vperm.xlane v3, v2;
	v4 =	vadd.s32 v1, v4;
	_ =	sdelay $0x1  }
0xb1: {  	v3 =	vadd.s32 v1, v3;
	_ =	sdelay $0x1  }
0xb2: {  	s24 =	simm.s32 $0xE480  }
0xb3: {  	[tilespmem:s24], [sflag:$0x1] =	stream.indirect_vreg.gather [hbm4b:s1+s3], $0x80, v4, vm0, $0xb8;
	[tilespmem:$0x12480] =	vst v63  }
0xb4: {  	s25 =	simm.s32 $0xEC80  }
0xb5: {  	[tilespmem:s25], [sflag:$0x1] =	stream.indirect_vreg.gather [hbm4b:s1+s3], $0x80, v3, vm0, $0xb8;
	[tilespmem:$0x12480] =	vst v63  }
0xb6: {  	v3 =	vld [tilespmem:$0xF0];
	_ =	sdelay $0x4  }
0xb7: {  	v63 =	vshll.u32 v3, $0x1  }
0xb8: {  	v3 =	vand.u32 $0x7, v3;
	v4 =	vand.u32 $0xFFFFFFF0, v63  }
0xb9: {  	v3 =	vor.u32 v3, v4  }
0xba: {  	v4 =	vperm.xlane v3, v0;
	_ =	sdelay $0x1  }
0xbb: {  	v3 =	vperm.xlane v3, v2;
	v4 =	vadd.s32 v1, v4;
	_ =	sdelay $0x1  }
0xbc: {  	v3 =	vadd.s32 v1, v3;
	_ =	sdelay $0x1  }
0xbd: {  	s26 =	simm.s32 $0xF480  }
0xbe: {  	[tilespmem:s26], [sflag:$0x1] =	stream.indirect_vreg.gather [hbm4b:s1+s3], $0x80, v4, vm0, $0xb8;
	[tilespmem:$0x12480] =	vst v63  }
0xbf: {  	s29 =	simm.s32 $0xFC80  }
0xc0: {  	[tilespmem:s29], [sflag:$0x1] =	stream.indirect_vreg.gather [hbm4b:s1+s3], $0x80, v3, vm0, $0xb8;
	[tilespmem:$0x12480] =	vst v63  }
0xc1: {  	v3 =	vld [tilespmem:$0x100];
	_ =	sdelay $0x4  }
0xc2: {  	v8 =	vshll.u32 v3, $0x1  }
0xc3: {  	v3 =	vand.u32 $0x7, v3;
	v4 =	vand.u32 $0xFFFFFFF0, v8  }
0xc4: {  	v3 =	vor.u32 v3, v4  }
0xc5: {  	v4 =	vperm.xlane v3, v0;
	_ =	sdelay $0x1  }
0xc6: {  	v3 =	vperm.xlane v3, v2;
	v4 =	vadd.s32 v1, v4;
	_ =	sdelay $0x1  }
0xc7: {  	v3 =	vadd.s32 v1, v3;
	_ =	sdelay $0x1  }
0xc8: {  	s30 =	simm.s32 $0x10480  }
0xc9: {  	[tilespmem:s30], [sflag:$0x1] =	stream.indirect_vreg.gather [hbm4b:s1+s3], $0x80, v4, vm0, $0xb8;
	[tilespmem:$0x12480] =	vst v63  }
0xca: {  	s31 =	simm.s32 $0x10C80  }
0xcb: {  	[tilespmem:s31], [sflag:$0x1] =	stream.indirect_vreg.gather [hbm4b:s1+s3], $0x80, v3, vm0, $0xb8;
	[tilespmem:$0x12480] =	vst v63  }
0xcc: {  	v3 =	vld [tilespmem:$0x110];
	_ =	sdelay $0x4  }
0xcd: {  	v9 =	vshll.u32 v3, $0x1  }
0xce: {  	v3 =	vand.u32 $0x7, v3;
	v4 =	vand.u32 $0xFFFFFFF0, v9  }
0xcf: {  	v3 =	vor.u32 v3, v4  }
0xd0: {  	v4 =	vperm.xlane v3, v0;
	_ =	sdelay $0x1  }
0xd1: {  	v3 =	vperm.xlane v3, v2;
	v4 =	vadd.s32 v1, v4;
	_ =	sdelay $0x1  }
0xd2: {  	v3 =	vadd.s32 v1, v3;
	_ =	sdelay $0x1  }
0xd3: {  	s0 =	simm.s32 $0x11480  }
0xd4: {  	[tilespmem:s0], [sflag:$0x1] =	stream.indirect_vreg.gather [hbm4b:s1+s3], $0x80, v4, vm0, $0xb8;
	[tilespmem:$0x12480] =	vst v63  }
0xd5: {  	s12 =	simm.s32 $0x11C80  }
0xd6: {  	[tilespmem:s12], [sflag:$0x1] =	stream.indirect_vreg.gather [hbm4b:s1+s3], $0x80, v3, vm0, $0xb8;
	[tilespmem:$0x12480] =	vst v63  }
0xd7: {  	_ =	swait.ge [sflag:s16], $0x12000  }
0xd8: {  	[sflag:s16] =	ssyncset.done $0x0  }
0xd9: {  	s14 =	rddreg [dreg:$0x5];
	[sflag:s16] =	ssyncadd.s32 $0xFFFEE000  }
0xda: {  	[hbm4b:s14+s3] =	stream.linear.scatter [tilespmem:s22], [sflag:$0x2], $0x12000, $0x38;
	[tilespmem:$0x12480] =	vst v63  }
0xdb: {  	_ =	swait.ge [sflag:s5], $0x12000  }
0xdc: {  	[sflag:s5] =	ssyncset.done $0x0  }
0xdd: {  	[sflag:s5] =	ssyncadd.s32 $0xFFFEE000  }
0xde: {  	v3 =	vld [tilespmem:$0x120];
	_ =	sdelay $0x4  }
0xdf: {  	v10 =	vshll.u32 v3, $0x1  }
0xe0: {  	v3 =	vand.u32 $0x7, v3;
	v4 =	vand.u32 $0xFFFFFFF0, v10  }
0xe1: {  	v3 =	vor.u32 v3, v4  }
0xe2: {  	v4 =	vperm.xlane v3, v0;
	_ =	sdelay $0x1  }
0xe3: {  	v3 =	vperm.xlane v3, v2;
	v4 =	vadd.s32 v1, v4;
	_ =	sdelay $0x1  }
0xe4: {  	v3 =	vadd.s32 v1, v3;
	_ =	sdelay $0x2  }
0xe5: {  	[tilespmem:s22], [sflag:$0x1] =	stream.indirect_vreg.gather [hbm4b:s1+s3], $0x80, v4, vm0, $0xb8;
	[tilespmem:$0x12480] =	vst v63  }
0xe6: {  	s10 =	simm.s32 $0xC80  }
0xe7: {  	[tilespmem:s10], [sflag:$0x1] =	stream.indirect_vreg.gather [hbm4b:s1+s3], $0x80, v3, vm0, $0xb8;
	[tilespmem:$0x12480] =	vst v63  }
0xe8: {  	v3 =	vld [tilespmem:$0x130];
	_ =	sdelay $0x4  }
0xe9: {  	v11 =	vshll.u32 v3, $0x1  }
0xea: {  	v3 =	vand.u32 $0x7, v3;
	v4 =	vand.u32 $0xFFFFFFF0, v11  }
0xeb: {  	v3 =	vor.u32 v3, v4  }
0xec: {  	v4 =	vperm.xlane v3, v0;
	_ =	sdelay $0x1  }
0xed: {  	v3 =	vperm.xlane v3, v2;
	v4 =	vadd.s32 v1, v4;
	_ =	sdelay $0x1  }
0xee: {  	v3 =	vadd.s32 v1, v3;
	_ =	sdelay $0x1  }
0xef: {  	s2 =	simm.s32 $0x1480  }
0xf0: {  	[tilespmem:s2], [sflag:$0x1] =	stream.indirect_vreg.gather [hbm4b:s1+s3], $0x80, v4, vm0, $0xb8;
	[tilespmem:$0x12480] =	vst v63  }
0xf1: {  	s11 =	simm.s32 $0x1C80  }
0xf2: {  	[tilespmem:s11], [sflag:$0x1] =	stream.indirect_vreg.gather [hbm4b:s1+s3], $0x80, v3, vm0, $0xb8;
	[tilespmem:$0x12480] =	vst v63  }
0xf3: {  	v3 =	vld [tilespmem:$0x140];
	_ =	sdelay $0x4  }
0xf4: {  	v12 =	vshll.u32 v3, $0x1  }
0xf5: {  	v3 =	vand.u32 $0x7, v3;
	v4 =	vand.u32 $0xFFFFFFF0, v12  }
0xf6: {  	v3 =	vor.u32 v3, v4  }
0xf7: {  	v4 =	vperm.xlane v3, v0;
	_ =	sdelay $0x1  }
0xf8: {  	v3 =	vperm.xlane v3, v2;
	v4 =	vadd.s32 v1, v4;
	_ =	sdelay $0x1  }
0xf9: {  	v3 =	vadd.s32 v1, v3;
	_ =	sdelay $0x1  }
0xfa: {  	s6 =	simm.s32 $0x2480  }
0xfb: {  	[tilespmem:s6], [sflag:$0x1] =	stream.indirect_vreg.gather [hbm4b:s1+s3], $0x80, v4, vm0, $0xb8;
	[tilespmem:$0x12480] =	vst v63  }
0xfc: {  	s12 =	simm.s32 $0x2C80  }
0xfd: {  	[tilespmem:s12], [sflag:$0x1] =	stream.indirect_vreg.gather [hbm4b:s1+s3], $0x80, v3, vm0, $0xb8;
	[tilespmem:$0x12480] =	vst v63  }
0xfe: {  	v3 =	vld [tilespmem:$0x150];
	_ =	sdelay $0x4  }
0xff: {  	v13 =	vshll.u32 v3, $0x1  }
0x100: {  	v3 =	vand.u32 $0x7, v3;
	v4 =	vand.u32 $0xFFFFFFF0, v13  }
0x101: {  	v3 =	vor.u32 v3, v4  }
0x102: {  	v4 =	vperm.xlane v3, v0;
	_ =	sdelay $0x1  }
0x103: {  	v3 =	vperm.xlane v3, v2;
	v4 =	vadd.s32 v1, v4;
	_ =	sdelay $0x1  }
0x104: {  	v3 =	vadd.s32 v1, v3;
	_ =	sdelay $0x1  }
0x105: {  	s7 =	simm.s32 $0x3480  }
0x106: {  	[tilespmem:s7], [sflag:$0x1] =	stream.indirect_vreg.gather [hbm4b:s1+s3], $0x80, v4, vm0, $0xb8;
	[tilespmem:$0x12480] =	vst v63  }
0x107: {  	s29 =	simm.s32 $0x3C80  }
0x108: {  	[tilespmem:s29], [sflag:$0x1] =	stream.indirect_vreg.gather [hbm4b:s1+s3], $0x80, v3, vm0, $0xb8;
	[tilespmem:$0x12480] =	vst v63  }
0x109: {  	v3 =	vld [tilespmem:$0x160];
	_ =	sdelay $0x4  }
0x10a: {  	v14 =	vshll.u32 v3, $0x1  }
0x10b: {  	v3 =	vand.u32 $0x7, v3;
	v4 =	vand.u32 $0xFFFFFFF0, v14  }
0x10c: {  	v3 =	vor.u32 v3, v4  }
0x10d: {  	v4 =	vperm.xlane v3, v0;
	_ =	sdelay $0x1  }
0x10e: {  	v3 =	vperm.xlane v3, v2;
	v4 =	vadd.s32 v1, v4;
	_ =	sdelay $0x1  }
0x10f: {  	v3 =	vadd.s32 v1, v3;
	_ =	sdelay $0x1  }
0x110: {  	s8 =	simm.s32 $0x4480  }
0x111: {  	[tilespmem:s8], [sflag:$0x1] =	stream.indirect_vreg.gather [hbm4b:s1+s3], $0x80, v4, vm0, $0xb8;
	[tilespmem:$0x12480] =	vst v63  }
0x112: {  	s13 =	simm.s32 $0x4C80  }
0x113: {  	[tilespmem:s13], [sflag:$0x1] =	stream.indirect_vreg.gather [hbm4b:s1+s3], $0x80, v3, vm0, $0xb8;
	[tilespmem:$0x12480] =	vst v63  }
0x114: {  	v3 =	vld [tilespmem:$0x170];
	_ =	sdelay $0x4  }
0x115: {  	v15 =	vshll.u32 v3, $0x1  }
0x116: {  	v3 =	vand.u32 $0x7, v3;
	v4 =	vand.u32 $0xFFFFFFF0, v15  }
0x117: {  	v3 =	vor.u32 v3, v4  }
0x118: {  	v4 =	vperm.xlane v3, v0;
	_ =	sdelay $0x1  }
0x119: {  	v3 =	vperm.xlane v3, v2;
	v4 =	vadd.s32 v1, v4;
	_ =	sdelay $0x1  }
0x11a: {  	v3 =	vadd.s32 v1, v3;
	_ =	sdelay $0x1  }
0x11b: {  	s9 =	simm.s32 $0x5480  }
0x11c: {  	[tilespmem:s9], [sflag:$0x1] =	stream.indirect_vreg.gather [hbm4b:s1+s3], $0x80, v4, vm0, $0xb8;
	[tilespmem:$0x12480] =	vst v63  }
0x11d: {  	s30 =	simm.s32 $0x5C80  }
0x11e: {  	[tilespmem:s30], [sflag:$0x1] =	stream.indirect_vreg.gather [hbm4b:s1+s3], $0x80, v3, vm0, $0xb8;
	[tilespmem:$0x12480] =	vst v63  }
0x11f: {  	v3 =	vld [tilespmem:$0x180];
	_ =	sdelay $0x4  }
0x120: {  	v16 =	vshll.u32 v3, $0x1  }
0x121: {  	v3 =	vand.u32 $0x7, v3;
	v4 =	vand.u32 $0xFFFFFFF0, v16  }
0x122: {  	v3 =	vor.u32 v3, v4  }
0x123: {  	v4 =	vperm.xlane v3, v0;
	_ =	sdelay $0x1  }
0x124: {  	v3 =	vperm.xlane v3, v2;
	v4 =	vadd.s32 v1, v4;
	_ =	sdelay $0x1  }
0x125: {  	v3 =	vadd.s32 v1, v3;
	_ =	sdelay $0x1  }
0x126: {  	s13 =	simm.s32 $0x6480  }
0x127: {  	[tilespmem:s13], [sflag:$0x1] =	stream.indirect_vreg.gather [hbm4b:s1+s3], $0x80, v4, vm0, $0xb8;
	[tilespmem:$0x12480] =	vst v63  }
0x128: {  	s14 =	simm.s32 $0x6C80  }
0x129: {  	[tilespmem:s14], [sflag:$0x1] =	stream.indirect_vreg.gather [hbm4b:s1+s3], $0x80, v3, vm0, $0xb8;
	[tilespmem:$0x12480] =	vst v63  }
0x12a: {  	v3 =	vld [tilespmem:$0x190];
	_ =	sdelay $0x4  }
0x12b: {  	v17 =	vshll.u32 v3, $0x1  }
0x12c: {  	v3 =	vand.u32 $0x7, v3;
	v4 =	vand.u32 $0xFFFFFFF0, v17  }
0x12d: {  	v3 =	vor.u32 v3, v4  }
0x12e: {  	v4 =	vperm.xlane v3, v0;
	_ =	sdelay $0x1  }
0x12f: {  	v3 =	vperm.xlane v3, v2;
	v4 =	vadd.s32 v1, v4;
	_ =	sdelay $0x1  }
0x130: {  	v3 =	vadd.s32 v1, v3;
	_ =	sdelay $0x1  }
0x131: {  	s0 =	simm.s32 $0x7480  }
0x132: {  	[tilespmem:s0], [sflag:$0x1] =	stream.indirect_vreg.gather [hbm4b:s1+s3], $0x80, v4, vm0, $0xb8;
	[tilespmem:$0x12480] =	vst v63  }
0x133: {  	s8 =	simm.s32 $0x7C80  }
0x134: {  	[tilespmem:s8], [sflag:$0x1] =	stream.indirect_vreg.gather [hbm4b:s1+s3], $0x80, v3, vm0, $0xb8;
	[tilespmem:$0x12480] =	vst v63  }
0x135: {  	v3 =	vld [tilespmem:$0x1A0];
	_ =	sdelay $0x4  }
0x136: {  	v18 =	vshll.u32 v3, $0x1  }
0x137: {  	v3 =	vand.u32 $0x7, v3;
	v4 =	vand.u32 $0xFFFFFFF0, v18  }
0x138: {  	v3 =	vor.u32 v3, v4  }
0x139: {  	v4 =	vperm.xlane v3, v0;
	_ =	sdelay $0x1  }
0x13a: {  	v3 =	vperm.xlane v3, v2;
	v4 =	vadd.s32 v1, v4;
	_ =	sdelay $0x1  }
0x13b: {  	v3 =	vadd.s32 v1, v3;
	_ =	sdelay $0x1  }
0x13c: {  	s2 =	simm.s32 $0x8480  }
0x13d: {  	[tilespmem:s2], [sflag:$0x1] =	stream.indirect_vreg.gather [hbm4b:s1+s3], $0x80, v4, vm0, $0xb8;
	[tilespmem:$0x12480] =	vst v63  }
0x13e: {  	s9 =	simm.s32 $0x8C80  }
0x13f: {  	[tilespmem:s9], [sflag:$0x1] =	stream.indirect_vreg.gather [hbm4b:s1+s3], $0x80, v3, vm0, $0xb8;
	[tilespmem:$0x12480] =	vst v63  }
0x140: {  	v3 =	vld [tilespmem:$0x1B0];
	_ =	sdelay $0x4  }
0x141: {  	v19 =	vshll.u32 v3, $0x1  }
0x142: {  	v3 =	vand.u32 $0x7, v3;
	v4 =	vand.u32 $0xFFFFFFF0, v19  }
0x143: {  	v3 =	vor.u32 v3, v4  }
0x144: {  	v4 =	vperm.xlane v3, v0;
	_ =	sdelay $0x1  }
0x145: {  	v3 =	vperm.xlane v3, v2;
	v4 =	vadd.s32 v1, v4;
	_ =	sdelay $0x1  }
0x146: {  	v3 =	vadd.s32 v1, v3;
	_ =	sdelay $0x1  }
0x147: {  	s6 =	simm.s32 $0x9480  }
0x148: {  	[tilespmem:s6], [sflag:$0x1] =	stream.indirect_vreg.gather [hbm4b:s1+s3], $0x80, v4, vm0, $0xb8;
	[tilespmem:$0x12480] =	vst v63  }
0x149: {  	s10 =	simm.s32 $0x9C80  }
0x14a: {  	[tilespmem:s10], [sflag:$0x1] =	stream.indirect_vreg.gather [hbm4b:s1+s3], $0x80, v3, vm0, $0xb8;
	[tilespmem:$0x12480] =	vst v63  }
0x14b: {  	v3 =	vld [tilespmem:$0x1C0];
	_ =	sdelay $0x4  }
0x14c: {  	v20 =	vshll.u32 v3, $0x1  }
0x14d: {  	v3 =	vand.u32 $0x7, v3;
	v4 =	vand.u32 $0xFFFFFFF0, v20  }
0x14e: {  	v3 =	vor.u32 v3, v4  }
0x14f: {  	v4 =	vperm.xlane v3, v0;
	_ =	sdelay $0x1  }
0x150: {  	v3 =	vperm.xlane v3, v2;
	v4 =	vadd.s32 v1, v4;
	_ =	sdelay $0x1  }
0x151: {  	v3 =	vadd.s32 v1, v3;
	_ =	sdelay $0x1  }
0x152: {  	s7 =	simm.s32 $0xA480  }
0x153: {  	[tilespmem:s7], [sflag:$0x1] =	stream.indirect_vreg.gather [hbm4b:s1+s3], $0x80, v4, vm0, $0xb8;
	[tilespmem:$0x12480] =	vst v63  }
0x154: {  	s11 =	simm.s32 $0xAC80  }
0x155: {  	[tilespmem:s11], [sflag:$0x1] =	stream.indirect_vreg.gather [hbm4b:s1+s3], $0x80, v3, vm0, $0xb8;
	[tilespmem:$0x12480] =	vst v63  }
0x156: {  	v3 =	vld [tilespmem:$0x1D0];
	_ =	sdelay $0x4  }
0x157: {  	v21 =	vshll.u32 v3, $0x1  }
0x158: {  	v3 =	vand.u32 $0x7, v3;
	v4 =	vand.u32 $0xFFFFFFF0, v21  }
0x159: {  	v3 =	vor.u32 v3, v4  }
0x15a: {  	v4 =	vperm.xlane v3, v0;
	_ =	sdelay $0x1  }
0x15b: {  	v3 =	vperm.xlane v3, v2;
	v4 =	vadd.s32 v1, v4;
	_ =	sdelay $0x1  }
0x15c: {  	v3 =	vadd.s32 v1, v3;
	_ =	sdelay $0x1  }
0x15d: {  	s23 =	simm.s32 $0xB480  }
0x15e: {  	[tilespmem:s23], [sflag:$0x1] =	stream.indirect_vreg.gather [hbm4b:s1+s3], $0x80, v4, vm0, $0xb8;
	[tilespmem:$0x12480] =	vst v63  }
0x15f: {  	s23 =	simm.s32 $0xBC80  }
0x160: {  	[tilespmem:s23], [sflag:$0x1] =	stream.indirect_vreg.gather [hbm4b:s1+s3], $0x80, v3, vm0, $0xb8;
	[tilespmem:$0x12480] =	vst v63  }
0x161: {  	v3 =	vld [tilespmem:$0x1E0];
	_ =	sdelay $0x4  }
0x162: {  	v22 =	vshll.u32 v3, $0x1  }
0x163: {  	v3 =	vand.u32 $0x7, v3;
	v4 =	vand.u32 $0xFFFFFFF0, v22  }
0x164: {  	v3 =	vor.u32 v3, v4  }
0x165: {  	v4 =	vperm.xlane v3, v0;
	_ =	sdelay $0x1  }
0x166: {  	v3 =	vperm.xlane v3, v2;
	v4 =	vadd.s32 v1, v4;
	_ =	sdelay $0x1  }
0x167: {  	v3 =	vadd.s32 v1, v3;
	_ =	sdelay $0x1  }
0x168: {  	s28 =	simm.s32 $0xC480  }
0x169: {  	[tilespmem:s28], [sflag:$0x1] =	stream.indirect_vreg.gather [hbm4b:s1+s3], $0x80, v4, vm0, $0xb8;
	[tilespmem:$0x12480] =	vst v63  }
0x16a: {  	s15 =	simm.s32 $0xCC80  }
0x16b: {  	[tilespmem:s15], [sflag:$0x1] =	stream.indirect_vreg.gather [hbm4b:s1+s3], $0x80, v3, vm0, $0xb8;
	[tilespmem:$0x12480] =	vst v63  }
0x16c: {  	v3 =	vld [tilespmem:$0x1F0];
	_ =	sdelay $0x4  }
0x16d: {  	v23 =	vshll.u32 v3, $0x1  }
0x16e: {  	v3 =	vand.u32 $0x7, v3;
	v4 =	vand.u32 $0xFFFFFFF0, v23  }
0x16f: {  	v3 =	vor.u32 v3, v4  }
0x170: {  	v4 =	vperm.xlane v3, v0;
	_ =	sdelay $0x1  }
0x171: {  	v3 =	vperm.xlane v3, v2;
	v4 =	vadd.s32 v1, v4;
	_ =	sdelay $0x1  }
0x172: {  	v3 =	vadd.s32 v1, v3;
	_ =	sdelay $0x1  }
0x173: {  	s17 =	simm.s32 $0xD480  }
0x174: {  	[tilespmem:s17], [sflag:$0x1] =	stream.indirect_vreg.gather [hbm4b:s1+s3], $0x80, v4, vm0, $0xb8;
	[tilespmem:$0x12480] =	vst v63  }
0x175: {  	s18 =	simm.s32 $0xDC80  }
0x176: {  	[tilespmem:s18], [sflag:$0x1] =	stream.indirect_vreg.gather [hbm4b:s1+s3], $0x80, v3, vm0, $0xb8;
	[tilespmem:$0x12480] =	vst v63  }
0x177: {  	v3 =	vld [tilespmem:$0x200];
	_ =	sdelay $0x4  }
0x178: {  	v24 =	vshll.u32 v3, $0x1  }
0x179: {  	v3 =	vand.u32 $0x7, v3;
	v4 =	vand.u32 $0xFFFFFFF0, v24  }
0x17a: {  	v3 =	vor.u32 v3, v4  }
0x17b: {  	v4 =	vperm.xlane v3, v0;
	_ =	sdelay $0x1  }
0x17c: {  	v3 =	vperm.xlane v3, v2;
	v4 =	vadd.s32 v1, v4;
	_ =	sdelay $0x1  }
0x17d: {  	v3 =	vadd.s32 v1, v3;
	_ =	sdelay $0x1  }
0x17e: {  	s18 =	simm.s32 $0xE480  }
0x17f: {  	[tilespmem:s18], [sflag:$0x1] =	stream.indirect_vreg.gather [hbm4b:s1+s3], $0x80, v4, vm0, $0xb8;
	[tilespmem:$0x12480] =	vst v63  }
0x180: {  	s19 =	simm.s32 $0xEC80  }
0x181: {  	[tilespmem:s19], [sflag:$0x1] =	stream.indirect_vreg.gather [hbm4b:s1+s3], $0x80, v3, vm0, $0xb8;
	[tilespmem:$0x12480] =	vst v63  }
0x182: {  	v3 =	vld [tilespmem:$0x210];
	_ =	sdelay $0x4  }
0x183: {  	v25 =	vshll.u32 v3, $0x1  }
0x184: {  	v3 =	vand.u32 $0x7, v3;
	v4 =	vand.u32 $0xFFFFFFF0, v25  }
0x185: {  	v3 =	vor.u32 v3, v4  }
0x186: {  	v4 =	vperm.xlane v3, v0;
	_ =	sdelay $0x1  }
0x187: {  	v3 =	vperm.xlane v3, v2;
	v4 =	vadd.s32 v1, v4;
	_ =	sdelay $0x1  }
0x188: {  	v3 =	vadd.s32 v1, v3;
	_ =	sdelay $0x1  }
0x189: {  	s19 =	simm.s32 $0xF480  }
0x18a: {  	[tilespmem:s19], [sflag:$0x1] =	stream.indirect_vreg.gather [hbm4b:s1+s3], $0x80, v4, vm0, $0xb8;
	[tilespmem:$0x12480] =	vst v63  }
0x18b: {  	s20 =	simm.s32 $0xFC80  }
0x18c: {  	[tilespmem:s20], [sflag:$0x1] =	stream.indirect_vreg.gather [hbm4b:s1+s3], $0x80, v3, vm0, $0xb8;
	[tilespmem:$0x12480] =	vst v63  }
0x18d: {  	v3 =	vld [tilespmem:$0x220];
	_ =	sdelay $0x4  }
0x18e: {  	v26 =	vshll.u32 v3, $0x1  }
0x18f: {  	v3 =	vand.u32 $0x7, v3;
	v4 =	vand.u32 $0xFFFFFFF0, v26  }
0x190: {  	v3 =	vor.u32 v3, v4  }
0x191: {  	v4 =	vperm.xlane v3, v0;
	_ =	sdelay $0x1  }
0x192: {  	v3 =	vperm.xlane v3, v2;
	v4 =	vadd.s32 v1, v4;
	_ =	sdelay $0x1  }
0x193: {  	v3 =	vadd.s32 v1, v3;
	_ =	sdelay $0x1  }
0x194: {  	s19 =	simm.s32 $0x10480  }
0x195: {  	[tilespmem:s19], [sflag:$0x1] =	stream.indirect_vreg.gather [hbm4b:s1+s3], $0x80, v4, vm0, $0xb8;
	[tilespmem:$0x12480] =	vst v63  }
0x196: {  	s21 =	simm.s32 $0x10C80  }
0x197: {  	[tilespmem:s21], [sflag:$0x1] =	stream.indirect_vreg.gather [hbm4b:s1+s3], $0x80, v3, vm0, $0xb8;
	[tilespmem:$0x12480] =	vst v63  }
0x198: {  	v3 =	vld [tilespmem:$0x230];
	_ =	sdelay $0x4  }
0x199: {  	v27 =	vshll.u32 v3, $0x1  }
0x19a: {  	v3 =	vand.u32 $0x7, v3;
	v4 =	vand.u32 $0xFFFFFFF0, v27  }
0x19b: {  	v3 =	vor.u32 v3, v4  }
0x19c: {  	v4 =	vperm.xlane v3, v0;
	_ =	sdelay $0x1  }
0x19d: {  	v3 =	vperm.xlane v3, v2;
	v4 =	vadd.s32 v1, v4;
	_ =	sdelay $0x1  }
0x19e: {  	v3 =	vadd.s32 v1, v3;
	_ =	sdelay $0x1  }
0x19f: {  	s20 =	simm.s32 $0x11480  }
0x1a0: {  	[tilespmem:s20], [sflag:$0x1] =	stream.indirect_vreg.gather [hbm4b:s1+s3], $0x80, v4, vm0, $0xb8;
	[tilespmem:$0x12480] =	vst v63  }
0x1a1: {  	s24 =	simm.s32 $0x11C80  }
0x1a2: {  	[tilespmem:s24], [sflag:$0x1] =	stream.indirect_vreg.gather [hbm4b:s1+s3], $0x80, v3, vm0, $0xb8;
	[tilespmem:$0x12480] =	vst v63  }
0x1a3: {  	_ =	swait.ge [sflag:s16], $0x12000  }
0x1a4: {  	[sflag:s16] =	ssyncset.done $0x0  }
0x1a5: {  	s21 =	rddreg [dreg:$0x6];
	[sflag:s16] =	ssyncadd.s32 $0xFFFEE000  }
0x1a6: {  	[hbm4b:s21+s3] =	stream.linear.scatter [tilespmem:s22], [sflag:$0x2], $0x12000, $0x38;
	[tilespmem:$0x12480] =	vst v63  }
0x1a7: {  	_ =	swait.ge [sflag:s5], $0x12000  }
0x1a8: {  	[sflag:s5] =	ssyncset.done $0x0  }
0x1a9: {  	[sflag:s5] =	ssyncadd.s32 $0xFFFEE000  }
0x1aa: {  	v3 =	vld [tilespmem:$0x240];
	_ =	sdelay $0x4  }
0x1ab: {  	v28 =	vshll.u32 v3, $0x1  }
0x1ac: {  	v3 =	vand.u32 $0x7, v3;
	v4 =	vand.u32 $0xFFFFFFF0, v28  }
0x1ad: {  	v3 =	vor.u32 v3, v4  }
0x1ae: {  	v4 =	vperm.xlane v3, v0;
	_ =	sdelay $0x1  }
0x1af: {  	v3 =	vperm.xlane v3, v2;
	v4 =	vadd.s32 v1, v4;
	_ =	sdelay $0x1  }
0x1b0: {  	v3 =	vadd.s32 v1, v3;
	_ =	sdelay $0x2  }
0x1b1: {  	[tilespmem:s22], [sflag:$0x1] =	stream.indirect_vreg.gather [hbm4b:s1+s3], $0x80, v4, vm0, $0xb8;
	[tilespmem:$0x12480] =	vst v63  }
0x1b2: {  	s24 =	simm.s32 $0xC80  }
0x1b3: {  	[tilespmem:s24], [sflag:$0x1] =	stream.indirect_vreg.gather [hbm4b:s1+s3], $0x80, v3, vm0, $0xb8;
	[tilespmem:$0x12480] =	vst v63  }
0x1b4: {  	v3 =	vld [tilespmem:$0x250];
	_ =	sdelay $0x4  }
0x1b5: {  	v29 =	vshll.u32 v3, $0x1  }
0x1b6: {  	v3 =	vand.u32 $0x7, v3;
	v4 =	vand.u32 $0xFFFFFFF0, v29  }
0x1b7: {  	v3 =	vor.u32 v3, v4  }
0x1b8: {  	v4 =	vperm.xlane v3, v0;
	_ =	sdelay $0x1  }
0x1b9: {  	v3 =	vperm.xlane v3, v2;
	v4 =	vadd.s32 v1, v4;
	_ =	sdelay $0x1  }
0x1ba: {  	v3 =	vadd.s32 v1, v3;
	_ =	sdelay $0x1  }
0x1bb: {  	s25 =	simm.s32 $0x1480  }
0x1bc: {  	[tilespmem:s25], [sflag:$0x1] =	stream.indirect_vreg.gather [hbm4b:s1+s3], $0x80, v4, vm0, $0xb8;
	[tilespmem:$0x12480] =	vst v63  }
0x1bd: {  	s21 =	simm.s32 $0x1C80  }
0x1be: {  	[tilespmem:s21], [sflag:$0x1] =	stream.indirect_vreg.gather [hbm4b:s1+s3], $0x80, v3, vm0, $0xb8;
	[tilespmem:$0x12480] =	vst v63  }
0x1bf: {  	v3 =	vld [tilespmem:$0x260];
	_ =	sdelay $0x4  }
0x1c0: {  	v30 =	vshll.u32 v3, $0x1  }
0x1c1: {  	v3 =	vand.u32 $0x7, v3;
	v4 =	vand.u32 $0xFFFFFFF0, v30  }
0x1c2: {  	v3 =	vor.u32 v3, v4  }
0x1c3: {  	v4 =	vperm.xlane v3, v0;
	_ =	sdelay $0x1  }
0x1c4: {  	v3 =	vperm.xlane v3, v2;
	v4 =	vadd.s32 v1, v4;
	_ =	sdelay $0x1  }
0x1c5: {  	v3 =	vadd.s32 v1, v3;
	_ =	sdelay $0x1  }
0x1c6: {  	s24 =	simm.s32 $0x2480  }
0x1c7: {  	[tilespmem:s24], [sflag:$0x1] =	stream.indirect_vreg.gather [hbm4b:s1+s3], $0x80, v4, vm0, $0xb8;
	[tilespmem:$0x12480] =	vst v63  }
0x1c8: {  	_ = 	snop  }
0x1c9: {  	[tilespmem:s12], [sflag:$0x1] =	stream.indirect_vreg.gather [hbm4b:s1+s3], $0x80, v3, vm0, $0xb8;
	[tilespmem:$0x12480] =	vst v63  }
0x1ca: {  	v3 =	vld [tilespmem:$0x270];
	_ =	sdelay $0x4  }
0x1cb: {  	v31 =	vshll.u32 v3, $0x1  }
0x1cc: {  	v3 =	vand.u32 $0x7, v3;
	v4 =	vand.u32 $0xFFFFFFF0, v31  }
0x1cd: {  	v3 =	vor.u32 v3, v4  }
0x1ce: {  	v4 =	vperm.xlane v3, v0;
	_ =	sdelay $0x1  }
0x1cf: {  	v3 =	vperm.xlane v3, v2;
	v4 =	vadd.s32 v1, v4;
	_ =	sdelay $0x1  }
0x1d0: {  	v3 =	vadd.s32 v1, v3;
	_ =	sdelay $0x1  }
0x1d1: {  	s25 =	simm.s32 $0x3480  }
0x1d2: {  	[tilespmem:s25], [sflag:$0x1] =	stream.indirect_vreg.gather [hbm4b:s1+s3], $0x80, v4, vm0, $0xb8;
	[tilespmem:$0x12480] =	vst v63  }
0x1d3: {  	_ = 	snop  }
0x1d4: {  	[tilespmem:s29], [sflag:$0x1] =	stream.indirect_vreg.gather [hbm4b:s1+s3], $0x80, v3, vm0, $0xb8;
	[tilespmem:$0x12480] =	vst v63  }
0x1d5: {  	v3 =	vld [tilespmem:$0x280];
	_ =	sdelay $0x4  }
0x1d6: {  	v32 =	vshll.u32 v3, $0x1  }
0x1d7: {  	v3 =	vand.u32 $0x7, v3;
	v4 =	vand.u32 $0xFFFFFFF0, v32  }
0x1d8: {  	v3 =	vor.u32 v3, v4  }
0x1d9: {  	v4 =	vperm.xlane v3, v0;
	_ =	sdelay $0x1  }
0x1da: {  	v3 =	vperm.xlane v3, v2;
	v4 =	vadd.s32 v1, v4;
	_ =	sdelay $0x1  }
0x1db: {  	v3 =	vadd.s32 v1, v3;
	_ =	sdelay $0x1  }
0x1dc: {  	s21 =	simm.s32 $0x4480  }
0x1dd: {  	[tilespmem:s21], [sflag:$0x1] =	stream.indirect_vreg.gather [hbm4b:s1+s3], $0x80, v4, vm0, $0xb8;
	[tilespmem:$0x12480] =	vst v63  }
0x1de: {  	s24 =	simm.s32 $0x4C80  }
0x1df: {  	[tilespmem:s24], [sflag:$0x1] =	stream.indirect_vreg.gather [hbm4b:s1+s3], $0x80, v3, vm0, $0xb8;
	[tilespmem:$0x12480] =	vst v63  }
0x1e0: {  	v3 =	vld [tilespmem:$0x290];
	_ =	sdelay $0x4  }
0x1e1: {  	v33 =	vshll.u32 v3, $0x1  }
0x1e2: {  	v3 =	vand.u32 $0x7, v3;
	v4 =	vand.u32 $0xFFFFFFF0, v33  }
0x1e3: {  	v3 =	vor.u32 v3, v4  }
0x1e4: {  	v4 =	vperm.xlane v3, v0;
	_ =	sdelay $0x1  }
0x1e5: {  	v3 =	vperm.xlane v3, v2;
	v4 =	vadd.s32 v1, v4;
	_ =	sdelay $0x1  }
0x1e6: {  	v3 =	vadd.s32 v1, v3;
	_ =	sdelay $0x1  }
0x1e7: {  	s29 =	simm.s32 $0x5480  }
0x1e8: {  	[tilespmem:s29], [sflag:$0x1] =	stream.indirect_vreg.gather [hbm4b:s1+s3], $0x80, v4, vm0, $0xb8;
	[tilespmem:$0x12480] =	vst v63  }
0x1e9: {  	_ = 	snop  }
0x1ea: {  	[tilespmem:s30], [sflag:$0x1] =	stream.indirect_vreg.gather [hbm4b:s1+s3], $0x80, v3, vm0, $0xb8;
	[tilespmem:$0x12480] =	vst v63  }
0x1eb: {  	v3 =	vld [tilespmem:$0x2A0];
	_ =	sdelay $0x4  }
0x1ec: {  	v34 =	vshll.u32 v3, $0x1  }
0x1ed: {  	v3 =	vand.u32 $0x7, v3;
	v4 =	vand.u32 $0xFFFFFFF0, v34  }
0x1ee: {  	v3 =	vor.u32 v3, v4  }
0x1ef: {  	v4 =	vperm.xlane v3, v0;
	_ =	sdelay $0x1  }
0x1f0: {  	v3 =	vperm.xlane v3, v2;
	v4 =	vadd.s32 v1, v4;
	_ =	sdelay $0x1  }
0x1f1: {  	v3 =	vadd.s32 v1, v3;
	_ =	sdelay $0x2  }
0x1f2: {  	[tilespmem:s13], [sflag:$0x1] =	stream.indirect_vreg.gather [hbm4b:s1+s3], $0x80, v4, vm0, $0xb8;
	[tilespmem:$0x12480] =	vst v63  }
0x1f3: {  	_ = 	snop  }
0x1f4: {  	[tilespmem:s14], [sflag:$0x1] =	stream.indirect_vreg.gather [hbm4b:s1+s3], $0x80, v3, vm0, $0xb8;
	[tilespmem:$0x12480] =	vst v63  }
0x1f5: {  	v3 =	vld [tilespmem:$0x2B0];
	_ =	sdelay $0x4  }
0x1f6: {  	v35 =	vshll.u32 v3, $0x1  }
0x1f7: {  	v3 =	vand.u32 $0x7, v3;
	v4 =	vand.u32 $0xFFFFFFF0, v35  }
0x1f8: {  	v3 =	vor.u32 v3, v4  }
0x1f9: {  	v4 =	vperm.xlane v3, v0;
	_ =	sdelay $0x1  }
0x1fa: {  	v3 =	vperm.xlane v3, v2;
	v4 =	vadd.s32 v1, v4;
	_ =	sdelay $0x1  }
0x1fb: {  	v3 =	vadd.s32 v1, v3;
	_ =	sdelay $0x2  }
0x1fc: {  	[tilespmem:s0], [sflag:$0x1] =	stream.indirect_vreg.gather [hbm4b:s1+s3], $0x80, v4, vm0, $0xb8;
	[tilespmem:$0x12480] =	vst v63  }
0x1fd: {  	_ = 	snop  }
0x1fe: {  	[tilespmem:s8], [sflag:$0x1] =	stream.indirect_vreg.gather [hbm4b:s1+s3], $0x80, v3, vm0, $0xb8;
	[tilespmem:$0x12480] =	vst v63  }
0x1ff: {  	v3 =	vld [tilespmem:$0x2C0];
	_ =	sdelay $0x4  }
0x200: {  	v36 =	vshll.u32 v3, $0x1  }
0x201: {  	v3 =	vand.u32 $0x7, v3;
	v4 =	vand.u32 $0xFFFFFFF0, v36  }
0x202: {  	v3 =	vor.u32 v3, v4  }
0x203: {  	v4 =	vperm.xlane v3, v0;
	_ =	sdelay $0x1  }
0x204: {  	v3 =	vperm.xlane v3, v2;
	v4 =	vadd.s32 v1, v4;
	_ =	sdelay $0x1  }
0x205: {  	v3 =	vadd.s32 v1, v3;
	_ =	sdelay $0x2  }
0x206: {  	[tilespmem:s2], [sflag:$0x1] =	stream.indirect_vreg.gather [hbm4b:s1+s3], $0x80, v4, vm0, $0xb8;
	[tilespmem:$0x12480] =	vst v63  }
0x207: {  	_ = 	snop  }
0x208: {  	[tilespmem:s9], [sflag:$0x1] =	stream.indirect_vreg.gather [hbm4b:s1+s3], $0x80, v3, vm0, $0xb8;
	[tilespmem:$0x12480] =	vst v63  }
0x209: {  	v3 =	vld [tilespmem:$0x2D0];
	_ =	sdelay $0x4  }
0x20a: {  	v37 =	vshll.u32 v3, $0x1  }
0x20b: {  	v3 =	vand.u32 $0x7, v3;
	v4 =	vand.u32 $0xFFFFFFF0, v37  }
0x20c: {  	v3 =	vor.u32 v3, v4  }
0x20d: {  	v4 =	vperm.xlane v3, v0;
	_ =	sdelay $0x1  }
0x20e: {  	v3 =	vperm.xlane v3, v2;
	v4 =	vadd.s32 v1, v4;
	_ =	sdelay $0x1  }
0x20f: {  	v3 =	vadd.s32 v1, v3;
	_ =	sdelay $0x2  }
0x210: {  	[tilespmem:s6], [sflag:$0x1] =	stream.indirect_vreg.gather [hbm4b:s1+s3], $0x80, v4, vm0, $0xb8;
	[tilespmem:$0x12480] =	vst v63  }
0x211: {  	_ = 	snop  }
0x212: {  	[tilespmem:s10], [sflag:$0x1] =	stream.indirect_vreg.gather [hbm4b:s1+s3], $0x80, v3, vm0, $0xb8;
	[tilespmem:$0x12480] =	vst v63  }
0x213: {  	v3 =	vld [tilespmem:$0x2E0];
	_ =	sdelay $0x4  }
0x214: {  	v38 =	vshll.u32 v3, $0x1  }
0x215: {  	v3 =	vand.u32 $0x7, v3;
	v4 =	vand.u32 $0xFFFFFFF0, v38  }
0x216: {  	v3 =	vor.u32 v3, v4  }
0x217: {  	v4 =	vperm.xlane v3, v0;
	_ =	sdelay $0x1  }
0x218: {  	v3 =	vperm.xlane v3, v2;
	v4 =	vadd.s32 v1, v4;
	_ =	sdelay $0x1  }
0x219: {  	v3 =	vadd.s32 v1, v3;
	_ =	sdelay $0x2  }
0x21a: {  	[tilespmem:s7], [sflag:$0x1] =	stream.indirect_vreg.gather [hbm4b:s1+s3], $0x80, v4, vm0, $0xb8;
	[tilespmem:$0x12480] =	vst v63  }
0x21b: {  	_ = 	snop  }
0x21c: {  	[tilespmem:s11], [sflag:$0x1] =	stream.indirect_vreg.gather [hbm4b:s1+s3], $0x80, v3, vm0, $0xb8;
	[tilespmem:$0x12480] =	vst v63  }
0x21d: {  	v3 =	vld [tilespmem:$0x2F0];
	_ =	sdelay $0x4  }
0x21e: {  	v39 =	vshll.u32 v3, $0x1  }
0x21f: {  	v3 =	vand.u32 $0x7, v3;
	v4 =	vand.u32 $0xFFFFFFF0, v39  }
0x220: {  	v3 =	vor.u32 v3, v4  }
0x221: {  	v4 =	vperm.xlane v3, v0;
	_ =	sdelay $0x1  }
0x222: {  	v3 =	vperm.xlane v3, v2;
	v4 =	vadd.s32 v1, v4;
	_ =	sdelay $0x1  }
0x223: {  	v3 =	vadd.s32 v1, v3;
	_ =	sdelay $0x1  }
0x224: {  	s26 =	simm.s32 $0xB480  }
0x225: {  	[tilespmem:s26], [sflag:$0x1] =	stream.indirect_vreg.gather [hbm4b:s1+s3], $0x80, v4, vm0, $0xb8;
	[tilespmem:$0x12480] =	vst v63  }
0x226: {  	_ = 	snop  }
0x227: {  	[tilespmem:s23], [sflag:$0x1] =	stream.indirect_vreg.gather [hbm4b:s1+s3], $0x80, v3, vm0, $0xb8;
	[tilespmem:$0x12480] =	vst v63  }
0x228: {  	v3 =	vld [tilespmem:$0x300];
	_ =	sdelay $0x4  }
0x229: {  	v40 =	vshll.u32 v3, $0x1  }
0x22a: {  	v3 =	vand.u32 $0x7, v3;
	v4 =	vand.u32 $0xFFFFFFF0, v40  }
0x22b: {  	v3 =	vor.u32 v3, v4  }
0x22c: {  	v4 =	vperm.xlane v3, v0;
	_ =	sdelay $0x1  }
0x22d: {  	v3 =	vperm.xlane v3, v2;
	v4 =	vadd.s32 v1, v4;
	_ =	sdelay $0x1  }
0x22e: {  	v3 =	vadd.s32 v1, v3;
	_ =	sdelay $0x1  }
0x22f: {  	s31 =	simm.s32 $0xC480  }
0x230: {  	[tilespmem:s31], [sflag:$0x1] =	stream.indirect_vreg.gather [hbm4b:s1+s3], $0x80, v4, vm0, $0xb8;
	[tilespmem:$0x12480] =	vst v63  }
0x231: {  	s28 =	simm.s32 $0xCC80  }
0x232: {  	[tilespmem:s28], [sflag:$0x1] =	stream.indirect_vreg.gather [hbm4b:s1+s3], $0x80, v3, vm0, $0xb8;
	[tilespmem:$0x12480] =	vst v63  }
0x233: {  	v3 =	vld [tilespmem:$0x310];
	_ =	sdelay $0x4  }
0x234: {  	v41 =	vshll.u32 v3, $0x1  }
0x235: {  	v3 =	vand.u32 $0x7, v3;
	v4 =	vand.u32 $0xFFFFFFF0, v41  }
0x236: {  	v3 =	vor.u32 v3, v4  }
0x237: {  	v4 =	vperm.xlane v3, v0;
	_ =	sdelay $0x1  }
0x238: {  	v3 =	vperm.xlane v3, v2;
	v4 =	vadd.s32 v1, v4;
	_ =	sdelay $0x1  }
0x239: {  	v3 =	vadd.s32 v1, v3;
	_ =	sdelay $0x1  }
0x23a: {  	s15 =	simm.s32 $0xD480  }
0x23b: {  	[tilespmem:s15], [sflag:$0x1] =	stream.indirect_vreg.gather [hbm4b:s1+s3], $0x80, v4, vm0, $0xb8;
	[tilespmem:$0x12480] =	vst v63  }
0x23c: {  	s17 =	simm.s32 $0xDC80  }
0x23d: {  	[tilespmem:s17], [sflag:$0x1] =	stream.indirect_vreg.gather [hbm4b:s1+s3], $0x80, v3, vm0, $0xb8;
	[tilespmem:$0x12480] =	vst v63  }
0x23e: {  	v3 =	vld [tilespmem:$0x320];
	_ =	sdelay $0x4  }
0x23f: {  	v42 =	vshll.u32 v3, $0x1  }
0x240: {  	v3 =	vand.u32 $0x7, v3;
	v4 =	vand.u32 $0xFFFFFFF0, v42  }
0x241: {  	v3 =	vor.u32 v3, v4  }
0x242: {  	v4 =	vperm.xlane v3, v0;
	_ =	sdelay $0x1  }
0x243: {  	v3 =	vperm.xlane v3, v2;
	v4 =	vadd.s32 v1, v4;
	_ =	sdelay $0x1  }
0x244: {  	v3 =	vadd.s32 v1, v3;
	_ =	sdelay $0x1  }
0x245: {  	s18 =	simm.s32 $0xE480  }
0x246: {  	[tilespmem:s18], [sflag:$0x1] =	stream.indirect_vreg.gather [hbm4b:s1+s3], $0x80, v4, vm0, $0xb8;
	[tilespmem:$0x12480] =	vst v63  }
0x247: {  	s18 =	simm.s32 $0xEC80  }
0x248: {  	[tilespmem:s18], [sflag:$0x1] =	stream.indirect_vreg.gather [hbm4b:s1+s3], $0x80, v3, vm0, $0xb8;
	[tilespmem:$0x12480] =	vst v63  }
0x249: {  	v3 =	vld [tilespmem:$0x330];
	_ =	sdelay $0x4  }
0x24a: {  	v43 =	vshll.u32 v3, $0x1  }
0x24b: {  	v3 =	vand.u32 $0x7, v3;
	v4 =	vand.u32 $0xFFFFFFF0, v43  }
0x24c: {  	v3 =	vor.u32 v3, v4  }
0x24d: {  	v4 =	vperm.xlane v3, v0;
	_ =	sdelay $0x1  }
0x24e: {  	v3 =	vperm.xlane v3, v2;
	v4 =	vadd.s32 v1, v4;
	_ =	sdelay $0x1  }
0x24f: {  	v3 =	vadd.s32 v1, v3;
	_ =	sdelay $0x1  }
0x250: {  	s28 =	simm.s32 $0xF480  }
0x251: {  	[tilespmem:s28], [sflag:$0x1] =	stream.indirect_vreg.gather [hbm4b:s1+s3], $0x80, v4, vm0, $0xb8;
	[tilespmem:$0x12480] =	vst v63  }
0x252: {  	s18 =	simm.s32 $0xFC80  }
0x253: {  	[tilespmem:s18], [sflag:$0x1] =	stream.indirect_vreg.gather [hbm4b:s1+s3], $0x80, v3, vm0, $0xb8;
	[tilespmem:$0x12480] =	vst v63  }
0x254: {  	v3 =	vld [tilespmem:$0x340];
	_ =	sdelay $0x4  }
0x255: {  	v44 =	vshll.u32 v3, $0x1  }
0x256: {  	v3 =	vand.u32 $0x7, v3;
	v4 =	vand.u32 $0xFFFFFFF0, v44  }
0x257: {  	v3 =	vor.u32 v3, v4  }
0x258: {  	v4 =	vperm.xlane v3, v0;
	_ =	sdelay $0x1  }
0x259: {  	v3 =	vperm.xlane v3, v2;
	v4 =	vadd.s32 v1, v4;
	_ =	sdelay $0x1  }
0x25a: {  	v3 =	vadd.s32 v1, v3;
	_ =	sdelay $0x1  }
0x25b: {  	s19 =	simm.s32 $0x10480  }
0x25c: {  	[tilespmem:s19], [sflag:$0x1] =	stream.indirect_vreg.gather [hbm4b:s1+s3], $0x80, v4, vm0, $0xb8;
	[tilespmem:$0x12480] =	vst v63  }
0x25d: {  	s19 =	simm.s32 $0x10C80  }
0x25e: {  	[tilespmem:s19], [sflag:$0x1] =	stream.indirect_vreg.gather [hbm4b:s1+s3], $0x80, v3, vm0, $0xb8;
	[tilespmem:$0x12480] =	vst v63  }
0x25f: {  	v3 =	vld [tilespmem:$0x350];
	_ =	sdelay $0x4  }
0x260: {  	v45 =	vshll.u32 v3, $0x1  }
0x261: {  	v3 =	vand.u32 $0x7, v3;
	v4 =	vand.u32 $0xFFFFFFF0, v45  }
0x262: {  	v3 =	vor.u32 v3, v4  }
0x263: {  	v4 =	vperm.xlane v3, v0;
	_ =	sdelay $0x1  }
0x264: {  	v3 =	vperm.xlane v3, v2;
	v4 =	vadd.s32 v1, v4;
	_ =	sdelay $0x1  }
0x265: {  	v3 =	vadd.s32 v1, v3;
	_ =	sdelay $0x1  }
0x266: {  	s20 =	simm.s32 $0x11480  }
0x267: {  	[tilespmem:s20], [sflag:$0x1] =	stream.indirect_vreg.gather [hbm4b:s1+s3], $0x80, v4, vm0, $0xb8;
	[tilespmem:$0x12480] =	vst v63  }
0x268: {  	s20 =	simm.s32 $0x11C80  }
0x269: {  	[tilespmem:s20], [sflag:$0x1] =	stream.indirect_vreg.gather [hbm4b:s1+s3], $0x80, v3, vm0, $0xb8;
	[tilespmem:$0x12480] =	vst v63  }
0x26a: {  	_ =	swait.ge [sflag:s16], $0x12000  }
0x26b: {  	[sflag:s16] =	ssyncset.done $0x0  }
0x26c: {  	s17 =	rddreg [dreg:$0x7];
	[sflag:s16] =	ssyncadd.s32 $0xFFFEE000  }
0x26d: {  	[hbm4b:s17+s3] =	stream.linear.scatter [tilespmem:s22], [sflag:$0x2], $0x12000, $0x38;
	[tilespmem:$0x12480] =	vst v63  }
0x26e: {  	_ =	swait.ge [sflag:s5], $0x12000  }
0x26f: {  	[sflag:s5] =	ssyncset.done $0x0  }
0x270: {  	[sflag:s5] =	ssyncadd.s32 $0xFFFEE000  }
0x271: {  	v3 =	vld [tilespmem:$0x360];
	_ =	sdelay $0x4  }
0x272: {  	v46 =	vshll.u32 v3, $0x1  }
0x273: {  	v3 =	vand.u32 $0x7, v3;
	v4 =	vand.u32 $0xFFFFFFF0, v46  }
0x274: {  	v3 =	vor.u32 v3, v4  }
0x275: {  	v4 =	vperm.xlane v3, v0;
	_ =	sdelay $0x1  }
0x276: {  	v3 =	vperm.xlane v3, v2;
	v4 =	vadd.s32 v1, v4;
	_ =	sdelay $0x1  }
0x277: {  	v3 =	vadd.s32 v1, v3;
	_ =	sdelay $0x2  }
0x278: {  	[tilespmem:s22], [sflag:$0x1] =	stream.indirect_vreg.gather [hbm4b:s1+s3], $0x80, v4, vm0, $0xb8;
	[tilespmem:$0x12480] =	vst v63  }
0x279: {  	s17 =	simm.s32 $0xC80  }
0x27a: {  	[tilespmem:s17], [sflag:$0x1] =	stream.indirect_vreg.gather [hbm4b:s1+s3], $0x80, v3, vm0, $0xb8;
	[tilespmem:$0x12480] =	vst v63  }
0x27b: {  	v3 =	vld [tilespmem:$0x370];
	_ =	sdelay $0x4  }
0x27c: {  	v47 =	vshll.u32 v3, $0x1  }
0x27d: {  	v3 =	vand.u32 $0x7, v3;
	v4 =	vand.u32 $0xFFFFFFF0, v47  }
0x27e: {  	v3 =	vor.u32 v3, v4  }
0x27f: {  	v4 =	vperm.xlane v3, v0;
	_ =	sdelay $0x1  }
0x280: {  	v3 =	vperm.xlane v3, v2;
	v4 =	vadd.s32 v1, v4;
	_ =	sdelay $0x1  }
0x281: {  	v3 =	vadd.s32 v1, v3;
	_ =	sdelay $0x1  }
0x282: {  	s17 =	simm.s32 $0x1480  }
0x283: {  	[tilespmem:s17], [sflag:$0x1] =	stream.indirect_vreg.gather [hbm4b:s1+s3], $0x80, v4, vm0, $0xb8;
	[tilespmem:$0x12480] =	vst v63  }
0x284: {  	s17 =	simm.s32 $0x1C80  }
0x285: {  	[tilespmem:s17], [sflag:$0x1] =	stream.indirect_vreg.gather [hbm4b:s1+s3], $0x80, v3, vm0, $0xb8;
	[tilespmem:$0x12480] =	vst v63  }
0x286: {  	v3 =	vld [tilespmem:$0x380];
	_ =	sdelay $0x4  }
0x287: {  	v48 =	vshll.u32 v3, $0x1  }
0x288: {  	v3 =	vand.u32 $0x7, v3;
	v4 =	vand.u32 $0xFFFFFFF0, v48  }
0x289: {  	v3 =	vor.u32 v3, v4  }
0x28a: {  	v4 =	vperm.xlane v3, v0;
	_ =	sdelay $0x1  }
0x28b: {  	v3 =	vperm.xlane v3, v2;
	v4 =	vadd.s32 v1, v4;
	_ =	sdelay $0x1  }
0x28c: {  	v3 =	vadd.s32 v1, v3;
	_ =	sdelay $0x1  }
0x28d: {  	s17 =	simm.s32 $0x2480  }
0x28e: {  	[tilespmem:s17], [sflag:$0x1] =	stream.indirect_vreg.gather [hbm4b:s1+s3], $0x80, v4, vm0, $0xb8;
	[tilespmem:$0x12480] =	vst v63  }
0x28f: {  	s12 =	simm.s32 $0x2C80  }
0x290: {  	[tilespmem:s12], [sflag:$0x1] =	stream.indirect_vreg.gather [hbm4b:s1+s3], $0x80, v3, vm0, $0xb8;
	[tilespmem:$0x12480] =	vst v63  }
0x291: {  	v3 =	vld [tilespmem:$0x390];
	_ =	sdelay $0x4  }
0x292: {  	v49 =	vshll.u32 v3, $0x1  }
0x293: {  	v3 =	vand.u32 $0x7, v3;
	v4 =	vand.u32 $0xFFFFFFF0, v49  }
0x294: {  	v3 =	vor.u32 v3, v4  }
0x295: {  	v4 =	vperm.xlane v3, v0;
	_ =	sdelay $0x1  }
0x296: {  	v3 =	vperm.xlane v3, v2;
	v4 =	vadd.s32 v1, v4;
	_ =	sdelay $0x1  }
0x297: {  	v3 =	vadd.s32 v1, v3;
	_ =	sdelay $0x1  }
0x298: {  	s17 =	simm.s32 $0x3480  }
0x299: {  	[tilespmem:s17], [sflag:$0x1] =	stream.indirect_vreg.gather [hbm4b:s1+s3], $0x80, v4, vm0, $0xb8;
	[tilespmem:$0x12480] =	vst v63  }
0x29a: {  	s25 =	simm.s32 $0x3C80  }
0x29b: {  	[tilespmem:s25], [sflag:$0x1] =	stream.indirect_vreg.gather [hbm4b:s1+s3], $0x80, v3, vm0, $0xb8;
	[tilespmem:$0x12480] =	vst v63  }
0x29c: {  	v3 =	vld [tilespmem:$0x3A0];
	_ =	sdelay $0x4  }
0x29d: {  	v50 =	vshll.u32 v3, $0x1  }
0x29e: {  	v3 =	vand.u32 $0x7, v3;
	v4 =	vand.u32 $0xFFFFFFF0, v50  }
0x29f: {  	v3 =	vor.u32 v3, v4  }
0x2a0: {  	v4 =	vperm.xlane v3, v0;
	_ =	sdelay $0x1  }
0x2a1: {  	v3 =	vperm.xlane v3, v2;
	v4 =	vadd.s32 v1, v4;
	_ =	sdelay $0x1  }
0x2a2: {  	v3 =	vadd.s32 v1, v3;
	_ =	sdelay $0x1  }
0x2a3: {  	s25 =	simm.s32 $0x4480  }
0x2a4: {  	[tilespmem:s25], [sflag:$0x1] =	stream.indirect_vreg.gather [hbm4b:s1+s3], $0x80, v4, vm0, $0xb8;
	[tilespmem:$0x12480] =	vst v63  }
0x2a5: {  	s17 =	simm.s32 $0x4C80  }
0x2a6: {  	[tilespmem:s17], [sflag:$0x1] =	stream.indirect_vreg.gather [hbm4b:s1+s3], $0x80, v3, vm0, $0xb8;
	[tilespmem:$0x12480] =	vst v63  }
0x2a7: {  	v3 =	vld [tilespmem:$0x3B0];
	_ =	sdelay $0x4  }
0x2a8: {  	v51 =	vshll.u32 v3, $0x1  }
0x2a9: {  	v3 =	vand.u32 $0x7, v3;
	v4 =	vand.u32 $0xFFFFFFF0, v51  }
0x2aa: {  	v3 =	vor.u32 v3, v4  }
0x2ab: {  	v4 =	vperm.xlane v3, v0;
	_ =	sdelay $0x1  }
0x2ac: {  	v3 =	vperm.xlane v3, v2;
	v4 =	vadd.s32 v1, v4;
	_ =	sdelay $0x1  }
0x2ad: {  	v3 =	vadd.s32 v1, v3;
	_ =	sdelay $0x1  }
0x2ae: {  	s25 =	simm.s32 $0x5480  }
0x2af: {  	[tilespmem:s25], [sflag:$0x1] =	stream.indirect_vreg.gather [hbm4b:s1+s3], $0x80, v4, vm0, $0xb8;
	[tilespmem:$0x12480] =	vst v63  }
0x2b0: {  	s21 =	simm.s32 $0x5C80  }
0x2b1: {  	[tilespmem:s21], [sflag:$0x1] =	stream.indirect_vreg.gather [hbm4b:s1+s3], $0x80, v3, vm0, $0xb8;
	[tilespmem:$0x12480] =	vst v63  }
0x2b2: {  	v3 =	vld [tilespmem:$0x3C0];
	_ =	sdelay $0x4  }
0x2b3: {  	v52 =	vshll.u32 v3, $0x1  }
0x2b4: {  	v3 =	vand.u32 $0x7, v3;
	v4 =	vand.u32 $0xFFFFFFF0, v52  }
0x2b5: {  	v3 =	vor.u32 v3, v4  }
0x2b6: {  	v4 =	vperm.xlane v3, v0;
	_ =	sdelay $0x1  }
0x2b7: {  	v3 =	vperm.xlane v3, v2;
	v4 =	vadd.s32 v1, v4;
	_ =	sdelay $0x1  }
0x2b8: {  	v3 =	vadd.s32 v1, v3;
	_ =	sdelay $0x1  }
0x2b9: {  	s13 =	simm.s32 $0x6480  }
0x2ba: {  	[tilespmem:s13], [sflag:$0x1] =	stream.indirect_vreg.gather [hbm4b:s1+s3], $0x80, v4, vm0, $0xb8;
	[tilespmem:$0x12480] =	vst v63  }
0x2bb: {  	s24 =	simm.s32 $0x6C80  }
0x2bc: {  	[tilespmem:s24], [sflag:$0x1] =	stream.indirect_vreg.gather [hbm4b:s1+s3], $0x80, v3, vm0, $0xb8;
	[tilespmem:$0x12480] =	vst v63  }
0x2bd: {  	v3 =	vld [tilespmem:$0x3D0];
	_ =	sdelay $0x4  }
0x2be: {  	v53 =	vshll.u32 v3, $0x1  }
0x2bf: {  	v3 =	vand.u32 $0x7, v3;
	v4 =	vand.u32 $0xFFFFFFF0, v53  }
0x2c0: {  	v3 =	vor.u32 v3, v4  }
0x2c1: {  	v4 =	vperm.xlane v3, v0;
	_ =	sdelay $0x1  }
0x2c2: {  	v3 =	vperm.xlane v3, v2;
	v4 =	vadd.s32 v1, v4;
	_ =	sdelay $0x1  }
0x2c3: {  	v3 =	vadd.s32 v1, v3;
	_ =	sdelay $0x1  }
0x2c4: {  	s0 =	simm.s32 $0x7480  }
0x2c5: {  	[tilespmem:s0], [sflag:$0x1] =	stream.indirect_vreg.gather [hbm4b:s1+s3], $0x80, v4, vm0, $0xb8;
	[tilespmem:$0x12480] =	vst v63  }
0x2c6: {  	s8 =	simm.s32 $0x7C80  }
0x2c7: {  	[tilespmem:s8], [sflag:$0x1] =	stream.indirect_vreg.gather [hbm4b:s1+s3], $0x80, v3, vm0, $0xb8;
	[tilespmem:$0x12480] =	vst v63  }
0x2c8: {  	v3 =	vld [tilespmem:$0x3E0];
	_ =	sdelay $0x4  }
0x2c9: {  	v54 =	vshll.u32 v3, $0x1  }
0x2ca: {  	v3 =	vand.u32 $0x7, v3;
	v4 =	vand.u32 $0xFFFFFFF0, v54  }
0x2cb: {  	v3 =	vor.u32 v3, v4  }
0x2cc: {  	v4 =	vperm.xlane v3, v0;
	_ =	sdelay $0x1  }
0x2cd: {  	v3 =	vperm.xlane v3, v2;
	v4 =	vadd.s32 v1, v4;
	_ =	sdelay $0x1  }
0x2ce: {  	v3 =	vadd.s32 v1, v3;
	_ =	sdelay $0x1  }
0x2cf: {  	s2 =	simm.s32 $0x8480  }
0x2d0: {  	[tilespmem:s2], [sflag:$0x1] =	stream.indirect_vreg.gather [hbm4b:s1+s3], $0x80, v4, vm0, $0xb8;
	[tilespmem:$0x12480] =	vst v63  }
0x2d1: {  	s9 =	simm.s32 $0x8C80  }
0x2d2: {  	[tilespmem:s9], [sflag:$0x1] =	stream.indirect_vreg.gather [hbm4b:s1+s3], $0x80, v3, vm0, $0xb8;
	[tilespmem:$0x12480] =	vst v63  }
0x2d3: {  	v3 =	vld [tilespmem:$0x3F0];
	_ =	sdelay $0x4  }
0x2d4: {  	v55 =	vshll.u32 v3, $0x1  }
0x2d5: {  	v3 =	vand.u32 $0x7, v3;
	v4 =	vand.u32 $0xFFFFFFF0, v55  }
0x2d6: {  	v3 =	vor.u32 v3, v4  }
0x2d7: {  	v4 =	vperm.xlane v3, v0;
	_ =	sdelay $0x1  }
0x2d8: {  	v3 =	vperm.xlane v3, v2;
	v4 =	vadd.s32 v1, v4;
	_ =	sdelay $0x1  }
0x2d9: {  	v3 =	vadd.s32 v1, v3;
	_ =	sdelay $0x1  }
0x2da: {  	s6 =	simm.s32 $0x9480  }
0x2db: {  	[tilespmem:s6], [sflag:$0x1] =	stream.indirect_vreg.gather [hbm4b:s1+s3], $0x80, v4, vm0, $0xb8;
	[tilespmem:$0x12480] =	vst v63  }
0x2dc: {  	s10 =	simm.s32 $0x9C80  }
0x2dd: {  	[tilespmem:s10], [sflag:$0x1] =	stream.indirect_vreg.gather [hbm4b:s1+s3], $0x80, v3, vm0, $0xb8;
	[tilespmem:$0x12480] =	vst v63  }
0x2de: {  	v3 =	vld [tilespmem:$0x400];
	_ =	sdelay $0x4  }
0x2df: {  	v56 =	vshll.u32 v3, $0x1  }
0x2e0: {  	v3 =	vand.u32 $0x7, v3;
	v4 =	vand.u32 $0xFFFFFFF0, v56  }
0x2e1: {  	v3 =	vor.u32 v3, v4  }
0x2e2: {  	v4 =	vperm.xlane v3, v0;
	_ =	sdelay $0x1  }
0x2e3: {  	v3 =	vperm.xlane v3, v2;
	v4 =	vadd.s32 v1, v4;
	_ =	sdelay $0x1  }
0x2e4: {  	v3 =	vadd.s32 v1, v3;
	_ =	sdelay $0x1  }
0x2e5: {  	s7 =	simm.s32 $0xA480  }
0x2e6: {  	[tilespmem:s7], [sflag:$0x1] =	stream.indirect_vreg.gather [hbm4b:s1+s3], $0x80, v4, vm0, $0xb8;
	[tilespmem:$0x12480] =	vst v63  }
0x2e7: {  	s11 =	simm.s32 $0xAC80  }
0x2e8: {  	[tilespmem:s11], [sflag:$0x1] =	stream.indirect_vreg.gather [hbm4b:s1+s3], $0x80, v3, vm0, $0xb8;
	[tilespmem:$0x12480] =	vst v63  }
0x2e9: {  	v3 =	vld [tilespmem:$0x410];
	_ =	sdelay $0x4  }
0x2ea: {  	v57 =	vshll.u32 v3, $0x1  }
0x2eb: {  	v3 =	vand.u32 $0x7, v3;
	v4 =	vand.u32 $0xFFFFFFF0, v57  }
0x2ec: {  	v3 =	vor.u32 v3, v4  }
0x2ed: {  	v4 =	vperm.xlane v3, v0;
	_ =	sdelay $0x1  }
0x2ee: {  	v3 =	vperm.xlane v3, v2;
	v4 =	vadd.s32 v1, v4;
	_ =	sdelay $0x1  }
0x2ef: {  	v3 =	vadd.s32 v1, v3;
	_ =	sdelay $0x1  }
0x2f0: {  	s29 =	simm.s32 $0xB480  }
0x2f1: {  	[tilespmem:s29], [sflag:$0x1] =	stream.indirect_vreg.gather [hbm4b:s1+s3], $0x80, v4, vm0, $0xb8;
	[tilespmem:$0x12480] =	vst v63  }
0x2f2: {  	s14 =	simm.s32 $0xBC80  }
0x2f3: {  	[tilespmem:s14], [sflag:$0x1] =	stream.indirect_vreg.gather [hbm4b:s1+s3], $0x80, v3, vm0, $0xb8;
	[tilespmem:$0x12480] =	vst v63  }
0x2f4: {  	v3 =	vld [tilespmem:$0x420];
	_ =	sdelay $0x4  }
0x2f5: {  	v58 =	vshll.u32 v3, $0x1  }
0x2f6: {  	v3 =	vand.u32 $0x7, v3;
	v4 =	vand.u32 $0xFFFFFFF0, v58  }
0x2f7: {  	v3 =	vor.u32 v3, v4  }
0x2f8: {  	v4 =	vperm.xlane v3, v0;
	_ =	sdelay $0x1  }
0x2f9: {  	v3 =	vperm.xlane v3, v2;
	v4 =	vadd.s32 v1, v4;
	_ =	sdelay $0x1  }
0x2fa: {  	v3 =	vadd.s32 v1, v3;
	_ =	sdelay $0x1  }
0x2fb: {  	s30 =	simm.s32 $0xC480  }
0x2fc: {  	[tilespmem:s30], [sflag:$0x1] =	stream.indirect_vreg.gather [hbm4b:s1+s3], $0x80, v4, vm0, $0xb8;
	[tilespmem:$0x12480] =	vst v63  }
0x2fd: {  	s26 =	simm.s32 $0xCC80  }
0x2fe: {  	[tilespmem:s26], [sflag:$0x1] =	stream.indirect_vreg.gather [hbm4b:s1+s3], $0x80, v3, vm0, $0xb8;
	[tilespmem:$0x12480] =	vst v63  }
0x2ff: {  	v3 =	vld [tilespmem:$0x430];
	_ =	sdelay $0x4  }
0x300: {  	v59 =	vshll.u32 v3, $0x1  }
0x301: {  	v3 =	vand.u32 $0x7, v3;
	v4 =	vand.u32 $0xFFFFFFF0, v59  }
0x302: {  	v3 =	vor.u32 v3, v4  }
0x303: {  	v4 =	vperm.xlane v3, v0;
	_ =	sdelay $0x1  }
0x304: {  	v3 =	vperm.xlane v3, v2;
	v4 =	vadd.s32 v1, v4;
	_ =	sdelay $0x1  }
0x305: {  	v3 =	vadd.s32 v1, v3;
	_ =	sdelay $0x1  }
0x306: {  	s23 =	simm.s32 $0xD480  }
0x307: {  	[tilespmem:s23], [sflag:$0x1] =	stream.indirect_vreg.gather [hbm4b:s1+s3], $0x80, v4, vm0, $0xb8;
	[tilespmem:$0x12480] =	vst v63  }
0x308: {  	s31 =	simm.s32 $0xDC80  }
0x309: {  	[tilespmem:s31], [sflag:$0x1] =	stream.indirect_vreg.gather [hbm4b:s1+s3], $0x80, v3, vm0, $0xb8;
	[tilespmem:$0x12480] =	vst v63  }
0x30a: {  	v3 =	vld [tilespmem:$0x440];
	_ =	sdelay $0x4  }
0x30b: {  	v60 =	vshll.u32 v3, $0x1  }
0x30c: {  	v3 =	vand.u32 $0x7, v3;
	v4 =	vand.u32 $0xFFFFFFF0, v60  }
0x30d: {  	v3 =	vor.u32 v3, v4  }
0x30e: {  	v4 =	vperm.xlane v3, v0;
	_ =	sdelay $0x1  }
0x30f: {  	v3 =	vperm.xlane v3, v2;
	v4 =	vadd.s32 v1, v4;
	_ =	sdelay $0x1  }
0x310: {  	v3 =	vadd.s32 v1, v3;
	_ =	sdelay $0x1  }
0x311: {  	s15 =	simm.s32 $0xE480  }
0x312: {  	[tilespmem:s15], [sflag:$0x1] =	stream.indirect_vreg.gather [hbm4b:s1+s3], $0x80, v4, vm0, $0xb8;
	[tilespmem:$0x12480] =	vst v63  }
0x313: {  	s26 =	simm.s32 $0xEC80  }
0x314: {  	[tilespmem:s26], [sflag:$0x1] =	stream.indirect_vreg.gather [hbm4b:s1+s3], $0x80, v3, vm0, $0xb8;
	[tilespmem:$0x12480] =	vst v63  }
0x315: {  	v3 =	vld [tilespmem:$0x450];
	_ =	sdelay $0x4  }
0x316: {  	v61 =	vshll.u32 v3, $0x1  }
0x317: {  	v3 =	vand.u32 $0x7, v3;
	v4 =	vand.u32 $0xFFFFFFF0, v61  }
0x318: {  	v3 =	vor.u32 v3, v4  }
0x319: {  	v4 =	vperm.xlane v3, v0;
	_ =	sdelay $0x1  }
0x31a: {  	v3 =	vperm.xlane v3, v2;
	v4 =	vadd.s32 v1, v4;
	_ =	sdelay $0x1  }
0x31b: {  	v3 =	vadd.s32 v1, v3;
	_ =	sdelay $0x1  }
0x31c: {  	s28 =	simm.s32 $0xF480  }
0x31d: {  	[tilespmem:s28], [sflag:$0x1] =	stream.indirect_vreg.gather [hbm4b:s1+s3], $0x80, v4, vm0, $0xb8;
	[tilespmem:$0x12480] =	vst v63  }
0x31e: {  	s29 =	simm.s32 $0xFC80  }
0x31f: {  	[tilespmem:s29], [sflag:$0x1] =	stream.indirect_vreg.gather [hbm4b:s1+s3], $0x80, v3, vm0, $0xb8;
	[tilespmem:$0x12480] =	vst v63  }
0x320: {  	v3 =	vld [tilespmem:$0x460];
	_ =	sdelay $0x4  }
0x321: {  	v62 =	vshll.u32 v3, $0x1  }
0x322: {  	v3 =	vand.u32 $0x7, v3;
	v4 =	vand.u32 $0xFFFFFFF0, v62  }
0x323: {  	v3 =	vor.u32 v3, v4  }
0x324: {  	v4 =	vperm.xlane v3, v0;
	_ =	sdelay $0x1  }
0x325: {  	v3 =	vperm.xlane v3, v2;
	v4 =	vadd.s32 v1, v4;
	_ =	sdelay $0x1  }
0x326: {  	v3 =	vadd.s32 v1, v3;
	_ =	sdelay $0x1  }
0x327: {  	s18 =	simm.s32 $0x10480  }
0x328: {  	[tilespmem:s18], [sflag:$0x1] =	stream.indirect_vreg.gather [hbm4b:s1+s3], $0x80, v4, vm0, $0xb8;
	[tilespmem:$0x12480] =	vst v63  }
0x329: {  	s30 =	simm.s32 $0x10C80  }
0x32a: {  	[tilespmem:s30], [sflag:$0x1] =	stream.indirect_vreg.gather [hbm4b:s1+s3], $0x80, v3, vm0, $0xb8;
	[tilespmem:$0x12480] =	vst v63  }
0x32b: {  	v3 =	vld [tilespmem:$0x470];
	_ =	sdelay $0x4  }
0x32c: {  	v63 =	vshll.u32 v3, $0x1  }
0x32d: {  	v3 =	vand.u32 $0x7, v3;
	v4 =	vand.u32 $0xFFFFFFF0, v63  }
0x32e: {  	v3 =	vor.u32 v3, v4  }
0x32f: {  	v4 =	vperm.xlane v3, v0;
	_ =	sdelay $0x1  }
0x330: {  	v3 =	vperm.xlane v3, v2;
	v4 =	vadd.s32 v1, v4;
	_ =	sdelay $0x1  }
0x331: {  	v3 =	vadd.s32 v1, v3;
	_ =	sdelay $0x1  }
0x332: {  	s19 =	simm.s32 $0x11480  }
0x333: {  	[tilespmem:s19], [sflag:$0x1] =	stream.indirect_vreg.gather [hbm4b:s1+s3], $0x80, v4, vm0, $0xb8;
	[tilespmem:$0x12480] =	vst v63  }
0x334: {  	s20 =	simm.s32 $0x11C80  }
0x335: {  	[tilespmem:s20], [sflag:$0x1] =	stream.indirect_vreg.gather [hbm4b:s1+s3], $0x80, v3, vm0, $0xb8;
	[tilespmem:$0x12480] =	vst v63  }
0x336: {  	_ =	swait.ge [sflag:s16], $0x12000  }
0x337: {  	p0 =	sne.s32 s4, $0x1;
	[sflag:s16] =	ssyncset.done $0x0  }
.Ltmp0:
0x338: {  	s31 =	rddreg [dreg:$0x8];
	[sflag:s16] =	ssyncadd.s32 $0xFFFEE000;
	(pc) =	sbr.rel @p0 .LBB2_1-.Ltmp0, $4  }
0x339: {  	[hbm4b:s31+s3] =	stream.linear.scatter [tilespmem:s22], [sflag:$0x2], $0x12000, $0x38;
	[tilespmem:$0x12480] =	vst v63  }
0x33a: {  	_ =	swait.ge [sflag:s5], $0x12000  }
0x33b: {  	[sflag:s5] =	ssyncset.done $0x0  }
0x33c: {  	s4 =	sadd.s32 $0xFFFFFFFF, s4;
	[sflag:s5] =	ssyncadd.s32 $0xFFFEE000  }
0x33d: {  	_ =	sfence.sel $0x180000  }
0x33e: {  	[bflag:$0x0] =	sbarrier.arrive $0xFFFF  }
0x33f: {  	_ =	strace $0x90000047  }
0x340: {  	s0 =	stileid.u32;
	[bflag:$0x2] =	sbarrier.arrive $0xFFFF  }
0x341: {  	p0 =	sne.s32 s0, $0x0;
	s0 =	rddreg [dreg:$0x3]  }
0x342: {  	s0 =	sadd.s32 @!p0 $0x100000, s0  }
0x343: {  	[sflag:s0] =	ssyncadd.tile.s32 @!p0 $0x1;
	_ =	shalt  }
.Lfunc_end2:
_tile_overlayer_lowered:
.L_overlay_start_2:
0x344: {  	(tag) =	ssettag $0x2  }
0x345: {  	s0 =	rddreg [dreg:$0x0];
	s2 =	stileid.u32  }
0x346: {  	s1 =	rddreg [dreg:$0x1];
	p0 =	sne.s32 s2, $0x0  }
0x347: {  	s3 =	rddreg [dreg:$0x2];
	[bflag:$0x3] =	sbarrier.arrive $0xFFFF;
	s2 =	simm.s32 @!p0 $0x1C02  }
0x348: {  	[timem:s3], [sflag:s2] =	dma.local @!p0 [hbm:s0], s1  }
0x349: {  	s0 =	simm.s32 @!p0 $0x2  }
0x34a: {  	_ =	swait.ge @!p0 [sflag:s0], s1  }
0x34b: {  	s1 =	ssub.s32 @!p0 $0x0, s1;
	[sflag:s0] =	ssyncset.done @!p0 $0x0  }
0x34c: {  	[sflag:s0] =	ssyncadd.s32 @!p0 s1  }
0x34d: {  	[bflag:$0x3] =	sbarrier.arrive $0xFFFF  }
0x34e: {  	_ =	shalt  }

</sc_bundles>
